<compile_context>
chip_gen: v7x
topology: tpu7x:2x2x1
jax: 0.10.2.dev20260603
libtpu: 0.0.44.dev20260713+nightly
codegen_flags: <defaults>
</compile_context>

<pallas_src>
import functools

import jax
import jax.numpy as jnp
from jax import lax
from jax.experimental import pallas as pl
from jax.experimental.pallas import tpu as pltpu
from jax.experimental.pallas import tpu_sc as plsc

EMBED_DIM = 100
PROJ_DIM = 400
BATCH = 16384

_DEPTH = 16
_PIPE = 8


def _make_gather(batch, embed_dim):
  info = plsc.get_sparse_core_info()
  nw = info.num_cores * info.num_subcores
  b_per_w = batch // nw
  mesh = plsc.VectorSubcoreMesh(core_axis_name="c", subcore_axis_name="s")
  n_groups = b_per_w // _DEPTH

  @functools.partial(
      pl.kernel,
      mesh=mesh,
      out_type=jax.ShapeDtypeStruct((batch, embed_dim), jnp.float32),
      scratch_types=[
          pltpu.VMEM((b_per_w,), jnp.int32),
          pltpu.VMEM((b_per_w, embed_dim), jnp.float32),
          pltpu.SemaphoreType.DMA,
      ],
  )
  def gather_kernel(table_hbm, idx_hbm, out_hbm, idx_v, rows_v, sem):
    wid = lax.axis_index("s") * info.num_cores + lax.axis_index("c")
    base = wid * b_per_w
    pltpu.sync_copy(idx_hbm.at[pl.ds(base, b_per_w)], idx_v)

    def issue_group(g):
      v = idx_v[pl.ds(g * _DEPTH, _DEPTH)]
      for k in range(_DEPTH):
        pltpu.async_copy(
            table_hbm.at[pl.ds(v[k], 1)],
            rows_v.at[pl.ds(g * _DEPTH + k, 1)],
            sem,
        )

    def drain_group():
      for _ in range(_DEPTH):
        pltpu.make_async_copy(
            table_hbm.at[pl.ds(0, 1)],
            rows_v.at[pl.ds(0, 1)],
            sem,
        ).wait()

    def body(g, _):
      issue_group(g)

      @pl.when(g >= _PIPE)
      def _():
        drain_group()

      return 0

    lax.fori_loop(0, n_groups, body, 0)

    def tail(g, _):
      drain_group()
      return 0

    lax.fori_loop(0, _PIPE, tail, 0)
    pltpu.sync_copy(rows_v, out_hbm.at[pl.ds(base, b_per_w)])

  return gather_kernel


_gather = _make_gather(BATCH, EMBED_DIM)


def _proj_body(wt_ref, x_ref, b_ref, o_ref):
  acc = lax.dot_general(
      wt_ref[...], x_ref[...],
      dimension_numbers=(((1,), (1,)), ((), ())),
      preferred_element_type=jnp.float32,
  )
  o_ref[...] = jnp.maximum(acc + b_ref[...].T, 0.0)


def _projection_t(emb, Wt, b2d, block_cols=4096):
  batch = emb.shape[0]
  grid = (batch // block_cols,)
  return pl.pallas_call(
      _proj_body,
      grid=grid,
      in_specs=[
          pl.BlockSpec((PROJ_DIM, EMBED_DIM), lambda i: (0, 0)),
          pl.BlockSpec((block_cols, EMBED_DIM), lambda i: (i, 0)),
          pl.BlockSpec((1, PROJ_DIM), lambda i: (0, 0)),
      ],
      out_specs=pl.BlockSpec((PROJ_DIM, block_cols), lambda i: (0, i)),
      out_shape=jax.ShapeDtypeStruct((PROJ_DIM, batch), jnp.float32),
  )(Wt, emb, b2d)


@jax.jit
def kernel(inputs, table, W, b):
  idx = inputs.reshape(-1).astype(jnp.int32)
  emb = _gather(table, idx)
  out_t = _projection_t(emb, W.T, b.reshape(1, PROJ_DIM))
  return out_t.T

# --- scband reference (transcript-rebuilt; emitter-appended) ---
"""Pipeline reference for scband-subcategory-encoder-1073741824279 (READ-ONLY COPY).

The authoritative reference and input builder live on the scoring server;
editing this copy changes nothing except your own understanding.
"""

import jax, jax.numpy as jnp
import numpy as np

NUM_SUBCATEGORIES = 100000
EMBED_DIM = 100
PROJ_DIM = 400
BATCH = 16384


def setup_inputs(seed: int = 0) -> dict:
    key = jax.random.key(seed)
    k1, k2, k3 = jax.random.split(key, 3)
    inputs = jax.random.randint(k1, (BATCH, 1), 0, NUM_SUBCATEGORIES, dtype=jnp.int64 if jax.config.jax_enable_x64 else jnp.int32)
    # Embedding table: (num_subcategories + 1, subcategory_embedding_dim)
    table = jax.random.uniform(k2, (NUM_SUBCATEGORIES + 1, EMBED_DIM), dtype=jnp.float32, minval=-0.05, maxval=0.05)
    # Dense projection: GlorotUniform kernel (EMBED_DIM, PROJ_DIM), zeros bias
    limit = np.sqrt(6.0 / (EMBED_DIM + PROJ_DIM))
    W = jax.random.uniform(k3, (EMBED_DIM, PROJ_DIM), dtype=jnp.float32, minval=-limit, maxval=limit)
    b = jnp.zeros((PROJ_DIM,), dtype=jnp.float32)
    return {"inputs": inputs, "table": table, "W": W, "b": b}


def reference(inputs, table, W, b):
    # embedding lookup: (B, 1) -> (B, 1, EMBED_DIM)
    embedded = jnp.take(table, inputs, axis=0)
    # dense projection with relu activation: (B, 1, PROJ_DIM)
    projected = jax.nn.relu(jnp.einsum('ble,ep->blp', embedded, W) + b)
    # squeeze the length-1 axis -> (B, PROJ_DIM)
    return jnp.squeeze(projected, axis=1)

if __name__ == "__main__":
    import jax
    _d = setup_inputs()
    print(jax.jit(kernel)(*tuple(_d.values())))

</pallas_src>

<mosaic_0001>
#map = affine_map<(d0, d1) -> (0, 0)>
#map1 = affine_map<(d0, d1) -> (0)>
module attributes {stable_mosaic.version = 14 : i64} {
  func.func @gather_kernel(%arg0: i32, %arg1: i32, %arg2: memref<100001x100xf32, #tpu.memory_space<hbm>>, %arg3: memref<16384xi32, #tpu.memory_space<hbm>>, %arg4: memref<16384x100xf32, #tpu.memory_space<hbm>>, %arg5: memref<512xi32, #tpu.memory_space<vmem>>, %arg6: memref<512x100xf32, #tpu.memory_space<vmem>>, %arg7: memref<!tpu.dma_semaphore, #tpu.memory_space<semaphore_mem>>) attributes {dimension_semantics = [#tpu.dimension_semantics<core_parallel>, #tpu.dimension_semantics<subcore_parallel>], iteration_bounds = array<i64: 2, 16>, scalar_prefetch = 0 : i64, scratch_operands = 3 : i64, tpu.core_type = #tpu.core_type<sc_vector_subcore>, window_params = [{transform_indices = #map}, {transform_indices = #map1}, {transform_indices = #map}]} {
    %mul3A = arith.constant 2 : i32
    %mul3A_0 = arith.muli %arg1, %mul3A : i32
    %add3A = arith.addi %mul3A_0, %arg0 : i32
    %mul3A_1 = arith.constant 512 : i32
    %mul3A_2 = arith.muli %add3A, %mul3A_1 : i32
    "tpu.region"() ({
      %run_scoped3A = tpu.sem_alloc : memref<!tpu.dma_semaphore, #tpu.memory_space<semaphore_mem>>
      %dma_start3A = tpu.memref_slice %arg3[%mul3A_2] : memref<16384xi32, #tpu.memory_space<hbm>> -> memref<512xi32, #tpu.memory_space<hbm>>
      %dma_start3A_16 = tpu.memref_slice %arg3[%mul3A_2] : memref<16384xi32, #tpu.memory_space<hbm>> -> memref<512xi32, #tpu.memory_space<hbm>>
      tpu.enqueue_dma source(%dma_start3A_16 : memref<512xi32, #tpu.memory_space<hbm>>) target(%arg5 : memref<512xi32, #tpu.memory_space<vmem>>) target_semaphore(%run_scoped3A : memref<!tpu.dma_semaphore, #tpu.memory_space<semaphore_mem>>)
      %dma_wait3A = tpu.memref_slice %arg3[%mul3A_2] : memref<16384xi32, #tpu.memory_space<hbm>> -> memref<512xi32, #tpu.memory_space<hbm>>
      %dma_wait3A_17 = tpu.memref_slice %arg3[%mul3A_2] : memref<16384xi32, #tpu.memory_space<hbm>> -> memref<512xi32, #tpu.memory_space<hbm>>
      tpu.wait_dma2 semaphore(%run_scoped3A : memref<!tpu.dma_semaphore, #tpu.memory_space<semaphore_mem>>) src(%dma_wait3A_17 : memref<512xi32, #tpu.memory_space<hbm>>) dst(%arg5 : memref<512xi32, #tpu.memory_space<vmem>>)
      tpu.yield
    }) : () -> ()
    %scan3A = arith.constant 0 : i32
    %scan3A_3 = arith.constant 0 : i32
    %scan3A_4 = arith.constant 32 : i32
    %scan3A_5 = arith.addi %scan3A_3, %scan3A_4 : i32
    %scan3A_6 = arith.constant 1 : i32
    %scan3A_7 = scf.for %scan3A_16 = %scan3A_3 to %scan3A_5 step %scan3A_6 iter_args(%scan3A_17 = %scan3A) -> (i32)  : i32 {
      %mul3A_18 = arith.constant 16 : i32
      %mul3A_19 = arith.muli %scan3A_16, %mul3A_18 : i32
      %get3A = arith.index_cast %mul3A_19 : i32 to index
      %get3A_20 = tpu.vector_load %arg5[%get3A] {strides = array<i32>} : memref<512xi32, #tpu.memory_space<vmem>>, vector<16xi32>,
      %get3A_21 = vector.shape_cast %get3A_20 : vector<16xi32> to vector<16xi32>
      %slice3A = vector.extract_strided_slice %get3A_21 {offsets = [0], sizes = [1], strides = [1]} : vector<16xi32> to vector<1xi32>
      %squeeze3A = vector.extract %slice3A[0] : i32 from vector<1xi32>
      %mul3A_22 = arith.constant 16 : i32
      %mul3A_23 = arith.muli %scan3A_16, %mul3A_22 : i32
      %add3A_24 = arith.constant 0 : i32
      %add3A_25 = arith.addi %mul3A_23, %add3A_24 : i32
      %dma_start3A = arith.constant 0 : i32
      %dma_start3A_26 = tpu.memref_slice %arg6[%add3A_25, %dma_start3A] : memref<512x100xf32, #tpu.memory_space<vmem>> -> memref<1x100xf32, #tpu.memory_space<vmem>>
      %dma_start3A_27 = arith.constant 0 : i32
      %dma_start3A_28 = tpu.memref_slice %arg2[%squeeze3A, %dma_start3A_27] : memref<100001x100xf32, #tpu.memory_space<hbm>> -> memref<1x100xf32, #tpu.memory_space<hbm>>
      %dma_start3A_29 = arith.constant 0 : i32
      %dma_start3A_30 = tpu.memref_slice %arg6[%add3A_25, %dma_start3A_29] : memref<512x100xf32, #tpu.memory_space<vmem>> -> memref<1x100xf32, #tpu.memory_space<vmem>>
      %dma_start3A_31 = arith.constant 0 : i32
      %dma_start3A_32 = tpu.memref_slice %arg2[%squeeze3A, %dma_start3A_31] : memref<100001x100xf32, #tpu.memory_space<hbm>> -> memref<1x100xf32, #tpu.memory_space<hbm>>
      tpu.enqueue_dma source(%dma_start3A_32 : memref<1x100xf32, #tpu.memory_space<hbm>>) target(%dma_start3A_30 : memref<1x100xf32, #tpu.memory_space<vmem>>) target_semaphore(%arg7 : memref<!tpu.dma_semaphore, #tpu.memory_space<semaphore_mem>>)
      %slice3A_33 = vector.extract_strided_slice %get3A_21 {offsets = [1], sizes = [1], strides = [1]} : vector<16xi32> to vector<1xi32>
      %squeeze3A_34 = vector.extract %slice3A_33[0] : i32 from vector<1xi32>
      %mul3A_35 = arith.constant 16 : i32
      %mul3A_36 = arith.muli %scan3A_16, %mul3A_35 : i32
      %add3A_37 = arith.constant 1 : i32
      %add3A_38 = arith.addi %mul3A_36, %add3A_37 : i32
      %dma_start3A_39 = arith.constant 0 : i32
      %dma_start3A_40 = tpu.memref_slice %arg6[%add3A_38, %dma_start3A_39] : memref<512x100xf32, #tpu.memory_space<vmem>> -> memref<1x100xf32, #tpu.memory_space<vmem>>
      %dma_start3A_41 = arith.constant 0 : i32
      %dma_start3A_42 = tpu.memref_slice %arg2[%squeeze3A_34, %dma_start3A_41] : memref<100001x100xf32, #tpu.memory_space<hbm>> -> memref<1x100xf32, #tpu.memory_space<hbm>>
      %dma_start3A_43 = arith.constant 0 : i32
      %dma_start3A_44 = tpu.memref_slice %arg6[%add3A_38, %dma_start3A_43] : memref<512x100xf32, #tpu.memory_space<vmem>> -> memref<1x100xf32, #tpu.memory_space<vmem>>
      %dma_start3A_45 = arith.constant 0 : i32
      %dma_start3A_46 = tpu.memref_slice %arg2[%squeeze3A_34, %dma_start3A_45] : memref<100001x100xf32, #tpu.memory_space<hbm>> -> memref<1x100xf32, #tpu.memory_space<hbm>>
      tpu.enqueue_dma source(%dma_start3A_46 : memref<1x100xf32, #tpu.memory_space<hbm>>) target(%dma_start3A_44 : memref<1x100xf32, #tpu.memory_space<vmem>>) target_semaphore(%arg7 : memref<!tpu.dma_semaphore, #tpu.memory_space<semaphore_mem>>)
      %slice3A_47 = vector.extract_strided_slice %get3A_21 {offsets = [2], sizes = [1], strides = [1]} : vector<16xi32> to vector<1xi32>
      %squeeze3A_48 = vector.extract %slice3A_47[0] : i32 from vector<1xi32>
      %mul3A_49 = arith.constant 16 : i32
      %mul3A_50 = arith.muli %scan3A_16, %mul3A_49 : i32
      %add3A_51 = arith.constant 2 : i32
      %add3A_52 = arith.addi %mul3A_50, %add3A_51 : i32
      %dma_start3A_53 = arith.constant 0 : i32
      %dma_start3A_54 = tpu.memref_slice %arg6[%add3A_52, %dma_start3A_53] : memref<512x100xf32, #tpu.memory_space<vmem>> -> memref<1x100xf32, #tpu.memory_space<vmem>>
      %dma_start3A_55 = arith.constant 0 : i32
      %dma_start3A_56 = tpu.memref_slice %arg2[%squeeze3A_48, %dma_start3A_55] : memref<100001x100xf32, #tpu.memory_space<hbm>> -> memref<1x100xf32, #tpu.memory_space<hbm>>
      %dma_start3A_57 = arith.constant 0 : i32
      %dma_start3A_58 = tpu.memref_slice %arg6[%add3A_52, %dma_start3A_57] : memref<512x100xf32, #tpu.memory_space<vmem>> -> memref<1x100xf32, #tpu.memory_space<vmem>>
      %dma_start3A_59 = arith.constant 0 : i32
      %dma_start3A_60 = tpu.memref_slice %arg2[%squeeze3A_48, %dma_start3A_59] : memref<100001x100xf32, #tpu.memory_space<hbm>> -> memref<1x100xf32, #tpu.memory_space<hbm>>
      tpu.enqueue_dma source(%dma_start3A_60 : memref<1x100xf32, #tpu.memory_space<hbm>>) target(%dma_start3A_58 : memref<1x100xf32, #tpu.memory_space<vmem>>) target_semaphore(%arg7 : memref<!tpu.dma_semaphore, #tpu.memory_space<semaphore_mem>>)
      %slice3A_61 = vector.extract_strided_slice %get3A_21 {offsets = [3], sizes = [1], strides = [1]} : vector<16xi32> to vector<1xi32>
      %squeeze3A_62 = vector.extract %slice3A_61[0] : i32 from vector<1xi32>
      %mul3A_63 = arith.constant 16 : i32
      %mul3A_64 = arith.muli %scan3A_16, %mul3A_63 : i32
      %add3A_65 = arith.constant 3 : i32
      %add3A_66 = arith.addi %mul3A_64, %add3A_65 : i32
      %dma_start3A_67 = arith.constant 0 : i32
      %dma_start3A_68 = tpu.memref_slice %arg6[%add3A_66, %dma_start3A_67] : memref<512x100xf32, #tpu.memory_space<vmem>> -> memref<1x100xf32, #tpu.memory_space<vmem>>
      %dma_start3A_69 = arith.constant 0 : i32
      %dma_start3A_70 = tpu.memref_slice %arg2[%squeeze3A_62, %dma_start3A_69] : memref<100001x100xf32, #tpu.memory_space<hbm>> -> memref<1x100xf32, #tpu.memory_space<hbm>>
      %dma_start3A_71 = arith.constant 0 : i32
      %dma_start3A_72 = tpu.memref_slice %arg6[%add3A_66, %dma_start3A_71] : memref<512x100xf32, #tpu.memory_space<vmem>> -> memref<1x100xf32, #tpu.memory_space<vmem>>
      %dma_start3A_73 = arith.constant 0 : i32
      %dma_start3A_74 = tpu.memref_slice %arg2[%squeeze3A_62, %dma_start3A_73] : memref<100001x100xf32, #tpu.memory_space<hbm>> -> memref<1x100xf32, #tpu.memory_space<hbm>>
      tpu.enqueue_dma source(%dma_start3A_74 : memref<1x100xf32, #tpu.memory_space<hbm>>) target(%dma_start3A_72 : memref<1x100xf32, #tpu.memory_space<vmem>>) target_semaphore(%arg7 : memref<!tpu.dma_semaphore, #tpu.memory_space<semaphore_mem>>)
      %slice3A_75 = vector.extract_strided_slice %get3A_21 {offsets = [4], sizes = [1], strides = [1]} : vector<16xi32> to vector<1xi32>
      %squeeze3A_76 = vector.extract %slice3A_75[0] : i32 from vector<1xi32>
      %mul3A_77 = arith.constant 16 : i32
      %mul3A_78 = arith.muli %scan3A_16, %mul3A_77 : i32
      %add3A_79 = arith.constant 4 : i32
      %add3A_80 = arith.addi %mul3A_78, %add3A_79 : i32
      %dma_start3A_81 = arith.constant 0 : i32
      %dma_start3A_82 = tpu.memref_slice %arg6[%add3A_80, %dma_start3A_81] : memref<512x100xf32, #tpu.memory_space<vmem>> -> memref<1x100xf32, #tpu.memory_space<vmem>>
      %dma_start3A_83 = arith.constant 0 : i32
      %dma_start3A_84 = tpu.memref_slice %arg2[%squeeze3A_76, %dma_start3A_83] : memref<100001x100xf32, #tpu.memory_space<hbm>> -> memref<1x100xf32, #tpu.memory_space<hbm>>
      %dma_start3A_85 = arith.constant 0 : i32
      %dma_start3A_86 = tpu.memref_slice %arg6[%add3A_80, %dma_start3A_85] : memref<512x100xf32, #tpu.memory_space<vmem>> -> memref<1x100xf32, #tpu.memory_space<vmem>>
      %dma_start3A_87 = arith.constant 0 : i32
      %dma_start3A_88 = tpu.memref_slice %arg2[%squeeze3A_76, %dma_start3A_87] : memref<100001x100xf32, #tpu.memory_space<hbm>> -> memref<1x100xf32, #tpu.memory_space<hbm>>
      tpu.enqueue_dma source(%dma_start3A_88 : memref<1x100xf32, #tpu.memory_space<hbm>>) target(%dma_start3A_86 : memref<1x100xf32, #tpu.memory_space<vmem>>) target_semaphore(%arg7 : memref<!tpu.dma_semaphore, #tpu.memory_space<semaphore_mem>>)
      %slice3A_89 = vector.extract_strided_slice %get3A_21 {offsets = [5], sizes = [1], strides = [1]} : vector<16xi32> to vector<1xi32>
      %squeeze3A_90 = vector.extract %slice3A_89[0] : i32 from vector<1xi32>
      %mul3A_91 = arith.constant 16 : i32
      %mul3A_92 = arith.muli %scan3A_16, %mul3A_91 : i32
      %add3A_93 = arith.constant 5 : i32
      %add3A_94 = arith.addi %mul3A_92, %add3A_93 : i32
      %dma_start3A_95 = arith.constant 0 : i32
      %dma_start3A_96 = tpu.memref_slice %arg6[%add3A_94, %dma_start3A_95] : memref<512x100xf32, #tpu.memory_space<vmem>> -> memref<1x100xf32, #tpu.memory_space<vmem>>
      %dma_start3A_97 = arith.constant 0 : i32
      %dma_start3A_98 = tpu.memref_slice %arg2[%squeeze3A_90, %dma_start3A_97] : memref<100001x100xf32, #tpu.memory_space<hbm>> -> memref<1x100xf32, #tpu.memory_space<hbm>>
      %dma_start3A_99 = arith.constant 0 : i32
      %dma_start3A_100 = tpu.memref_slice %arg6[%add3A_94, %dma_start3A_99] : memref<512x100xf32, #tpu.memory_space<vmem>> -> memref<1x100xf32, #tpu.memory_space<vmem>>
      %dma_start3A_101 = arith.constant 0 : i32
      %dma_start3A_102 = tpu.memref_slice %arg2[%squeeze3A_90, %dma_start3A_101] : memref<100001x100xf32, #tpu.memory_space<hbm>> -> memref<1x100xf32, #tpu.memory_space<hbm>>
      tpu.enqueue_dma source(%dma_start3A_102 : memref<1x100xf32, #tpu.memory_space<hbm>>) target(%dma_start3A_100 : memref<1x100xf32, #tpu.memory_space<vmem>>) target_semaphore(%arg7 : memref<!tpu.dma_semaphore, #tpu.memory_space<semaphore_mem>>)
      %slice3A_103 = vector.extract_strided_slice %get3A_21 {offsets = [6], sizes = [1], strides = [1]} : vector<16xi32> to vector<1xi32>
      %squeeze3A_104 = vector.extract %slice3A_103[0] : i32 from vector<1xi32>
      %mul3A_105 = arith.constant 16 : i32
      %mul3A_106 = arith.muli %scan3A_16, %mul3A_105 : i32
      %add3A_107 = arith.constant 6 : i32
      %add3A_108 = arith.addi %mul3A_106, %add3A_107 : i32
      %dma_start3A_109 = arith.constant 0 : i32
      %dma_start3A_110 = tpu.memref_slice %arg6[%add3A_108, %dma_start3A_109] : memref<512x100xf32, #tpu.memory_space<vmem>> -> memref<1x100xf32, #tpu.memory_space<vmem>>
      %dma_start3A_111 = arith.constant 0 : i32
      %dma_start3A_112 = tpu.memref_slice %arg2[%squeeze3A_104, %dma_start3A_111] : memref<100001x100xf32, #tpu.memory_space<hbm>> -> memref<1x100xf32, #tpu.memory_space<hbm>>
      %dma_start3A_113 = arith.constant 0 : i32
      %dma_start3A_114 = tpu.memref_slice %arg6[%add3A_108, %dma_start3A_113] : memref<512x100xf32, #tpu.memory_space<vmem>> -> memref<1x100xf32, #tpu.memory_space<vmem>>
      %dma_start3A_115 = arith.constant 0 : i32
      %dma_start3A_116 = tpu.memref_slice %arg2[%squeeze3A_104, %dma_start3A_115] : memref<100001x100xf32, #tpu.memory_space<hbm>> -> memref<1x100xf32, #tpu.memory_space<hbm>>
      tpu.enqueue_dma source(%dma_start3A_116 : memref<1x100xf32, #tpu.memory_space<hbm>>) target(%dma_start3A_114 : memref<1x100xf32, #tpu.memory_space<vmem>>) target_semaphore(%arg7 : memref<!tpu.dma_semaphore, #tpu.memory_space<semaphore_mem>>)
      %slice3A_117 = vector.extract_strided_slice %get3A_21 {offsets = [7], sizes = [1], strides = [1]} : vector<16xi32> to vector<1xi32>
      %squeeze3A_118 = vector.extract %slice3A_117[0] : i32 from vector<1xi32>
      %mul3A_119 = arith.constant 16 : i32
      %mul3A_120 = arith.muli %scan3A_16, %mul3A_119 : i32
      %add3A_121 = arith.constant 7 : i32
      %add3A_122 = arith.addi %mul3A_120, %add3A_121 : i32
      %dma_start3A_123 = arith.constant 0 : i32
      %dma_start3A_124 = tpu.memref_slice %arg6[%add3A_122, %dma_start3A_123] : memref<512x100xf32, #tpu.memory_space<vmem>> -> memref<1x100xf32, #tpu.memory_space<vmem>>
      %dma_start3A_125 = arith.constant 0 : i32
      %dma_start3A_126 = tpu.memref_slice %arg2[%squeeze3A_118, %dma_start3A_125] : memref<100001x100xf32, #tpu.memory_space<hbm>> -> memref<1x100xf32, #tpu.memory_space<hbm>>
      %dma_start3A_127 = arith.constant 0 : i32
      %dma_start3A_128 = tpu.memref_slice %arg6[%add3A_122, %dma_start3A_127] : memref<512x100xf32, #tpu.memory_space<vmem>> -> memref<1x100xf32, #tpu.memory_space<vmem>>
      %dma_start3A_129 = arith.constant 0 : i32
      %dma_start3A_130 = tpu.memref_slice %arg2[%squeeze3A_118, %dma_start3A_129] : memref<100001x100xf32, #tpu.memory_space<hbm>> -> memref<1x100xf32, #tpu.memory_space<hbm>>
      tpu.enqueue_dma source(%dma_start3A_130 : memref<1x100xf32, #tpu.memory_space<hbm>>) target(%dma_start3A_128 : memref<1x100xf32, #tpu.memory_space<vmem>>) target_semaphore(%arg7 : memref<!tpu.dma_semaphore, #tpu.memory_space<semaphore_mem>>)
      %slice3A_131 = vector.extract_strided_slice %get3A_21 {offsets = [8], sizes = [1], strides = [1]} : vector<16xi32> to vector<1xi32>
      %squeeze3A_132 = vector.extract %slice3A_131[0] : i32 from vector<1xi32>
      %mul3A_133 = arith.constant 16 : i32
      %mul3A_134 = arith.muli %scan3A_16, %mul3A_133 : i32
      %add3A_135 = arith.constant 8 : i32
      %add3A_136 = arith.addi %mul3A_134, %add3A_135 : i32
      %dma_start3A_137 = arith.constant 0 : i32
      %dma_start3A_138 = tpu.memref_slice %arg6[%add3A_136, %dma_start3A_137] : memref<512x100xf32, #tpu.memory_space<vmem>> -> memref<1x100xf32, #tpu.memory_space<vmem>>
      %dma_start3A_139 = arith.constant 0 : i32
      %dma_start3A_140 = tpu.memref_slice %arg2[%squeeze3A_132, %dma_start3A_139] : memref<100001x100xf32, #tpu.memory_space<hbm>> -> memref<1x100xf32, #tpu.memory_space<hbm>>
      %dma_start3A_141 = arith.constant 0 : i32
      %dma_start3A_142 = tpu.memref_slice %arg6[%add3A_136, %dma_start3A_141] : memref<512x100xf32, #tpu.memory_space<vmem>> -> memref<1x100xf32, #tpu.memory_space<vmem>>
      %dma_start3A_143 = arith.constant 0 : i32
      %dma_start3A_144 = tpu.memref_slice %arg2[%squeeze3A_132, %dma_start3A_143] : memref<100001x100xf32, #tpu.memory_space<hbm>> -> memref<1x100xf32, #tpu.memory_space<hbm>>
      tpu.enqueue_dma source(%dma_start3A_144 : memref<1x100xf32, #tpu.memory_space<hbm>>) target(%dma_start3A_142 : memref<1x100xf32, #tpu.memory_space<vmem>>) target_semaphore(%arg7 : memref<!tpu.dma_semaphore, #tpu.memory_space<semaphore_mem>>)
      %slice3A_145 = vector.extract_strided_slice %get3A_21 {offsets = [9], sizes = [1], strides = [1]} : vector<16xi32> to vector<1xi32>
      %squeeze3A_146 = vector.extract %slice3A_145[0] : i32 from vector<1xi32>
      %mul3A_147 = arith.constant 16 : i32
      %mul3A_148 = arith.muli %scan3A_16, %mul3A_147 : i32
      %add3A_149 = arith.constant 9 : i32
      %add3A_150 = arith.addi %mul3A_148, %add3A_149 : i32
      %dma_start3A_151 = arith.constant 0 : i32
      %dma_start3A_152 = tpu.memref_slice %arg6[%add3A_150, %dma_start3A_151] : memref<512x100xf32, #tpu.memory_space<vmem>> -> memref<1x100xf32, #tpu.memory_space<vmem>>
      %dma_start3A_153 = arith.constant 0 : i32
      %dma_start3A_154 = tpu.memref_slice %arg2[%squeeze3A_146, %dma_start3A_153] : memref<100001x100xf32, #tpu.memory_space<hbm>> -> memref<1x100xf32, #tpu.memory_space<hbm>>
      %dma_start3A_155 = arith.constant 0 : i32
      %dma_start3A_156 = tpu.memref_slice %arg6[%add3A_150, %dma_start3A_155] : memref<512x100xf32, #tpu.memory_space<vmem>> -> memref<1x100xf32, #tpu.memory_space<vmem>>
      %dma_start3A_157 = arith.constant 0 : i32
      %dma_start3A_158 = tpu.memref_slice %arg2[%squeeze3A_146, %dma_start3A_157] : memref<100001x100xf32, #tpu.memory_space<hbm>> -> memref<1x100xf32, #tpu.memory_space<hbm>>
      tpu.enqueue_dma source(%dma_start3A_158 : memref<1x100xf32, #tpu.memory_space<hbm>>) target(%dma_start3A_156 : memref<1x100xf32, #tpu.memory_space<vmem>>) target_semaphore(%arg7 : memref<!tpu.dma_semaphore, #tpu.memory_space<semaphore_mem>>)
      %slice3A_159 = vector.extract_strided_slice %get3A_21 {offsets = [10], sizes = [1], strides = [1]} : vector<16xi32> to vector<1xi32>
      %squeeze3A_160 = vector.extract %slice3A_159[0] : i32 from vector<1xi32>
      %mul3A_161 = arith.constant 16 : i32
      %mul3A_162 = arith.muli %scan3A_16, %mul3A_161 : i32
      %add3A_163 = arith.constant 10 : i32
      %add3A_164 = arith.addi %mul3A_162, %add3A_163 : i32
      %dma_start3A_165 = arith.constant 0 : i32
      %dma_start3A_166 = tpu.memref_slice %arg6[%add3A_164, %dma_start3A_165] : memref<512x100xf32, #tpu.memory_space<vmem>> -> memref<1x100xf32, #tpu.memory_space<vmem>>
      %dma_start3A_167 = arith.constant 0 : i32
      %dma_start3A_168 = tpu.memref_slice %arg2[%squeeze3A_160, %dma_start3A_167] : memref<100001x100xf32, #tpu.memory_space<hbm>> -> memref<1x100xf32, #tpu.memory_space<hbm>>
      %dma_start3A_169 = arith.constant 0 : i32
      %dma_start3A_170 = tpu.memref_slice %arg6[%add3A_164, %dma_start3A_169] : memref<512x100xf32, #tpu.memory_space<vmem>> -> memref<1x100xf32, #tpu.memory_space<vmem>>
      %dma_start3A_171 = arith.constant 0 : i32
      %dma_start3A_172 = tpu.memref_slice %arg2[%squeeze3A_160, %dma_start3A_171] : memref<100001x100xf32, #tpu.memory_space<hbm>> -> memref<1x100xf32, #tpu.memory_space<hbm>>
      tpu.enqueue_dma source(%dma_start3A_172 : memref<1x100xf32, #tpu.memory_space<hbm>>) target(%dma_start3A_170 : memref<1x100xf32, #tpu.memory_space<vmem>>) target_semaphore(%arg7 : memref<!tpu.dma_semaphore, #tpu.memory_space<semaphore_mem>>)
      %slice3A_173 = vector.extract_strided_slice %get3A_21 {offsets = [11], sizes = [1], strides = [1]} : vector<16xi32> to vector<1xi32>
      %squeeze3A_174 = vector.extract %slice3A_173[0] : i32 from vector<1xi32>
      %mul3A_175 = arith.constant 16 : i32
      %mul3A_176 = arith.muli %scan3A_16, %mul3A_175 : i32
      %add3A_177 = arith.constant 11 : i32
      %add3A_178 = arith.addi %mul3A_176, %add3A_177 : i32
      %dma_start3A_179 = arith.constant 0 : i32
      %dma_start3A_180 = tpu.memref_slice %arg6[%add3A_178, %dma_start3A_179] : memref<512x100xf32, #tpu.memory_space<vmem>> -> memref<1x100xf32, #tpu.memory_space<vmem>>
      %dma_start3A_181 = arith.constant 0 : i32
      %dma_start3A_182 = tpu.memref_slice %arg2[%squeeze3A_174, %dma_start3A_181] : memref<100001x100xf32, #tpu.memory_space<hbm>> -> memref<1x100xf32, #tpu.memory_space<hbm>>
      %dma_start3A_183 = arith.constant 0 : i32
      %dma_start3A_184 = tpu.memref_slice %arg6[%add3A_178, %dma_start3A_183] : memref<512x100xf32, #tpu.memory_space<vmem>> -> memref<1x100xf32, #tpu.memory_space<vmem>>
      %dma_start3A_185 = arith.constant 0 : i32
      %dma_start3A_186 = tpu.memref_slice %arg2[%squeeze3A_174, %dma_start3A_185] : memref<100001x100xf32, #tpu.memory_space<hbm>> -> memref<1x100xf32, #tpu.memory_space<hbm>>
      tpu.enqueue_dma source(%dma_start3A_186 : memref<1x100xf32, #tpu.memory_space<hbm>>) target(%dma_start3A_184 : memref<1x100xf32, #tpu.memory_space<vmem>>) target_semaphore(%arg7 : memref<!tpu.dma_semaphore, #tpu.memory_space<semaphore_mem>>)
      %slice3A_187 = vector.extract_strided_slice %get3A_21 {offsets = [12], sizes = [1], strides = [1]} : vector<16xi32> to vector<1xi32>
      %squeeze3A_188 = vector.extract %slice3A_187[0] : i32 from vector<1xi32>
      %mul3A_189 = arith.constant 16 : i32
      %mul3A_190 = arith.muli %scan3A_16, %mul3A_189 : i32
      %add3A_191 = arith.constant 12 : i32
      %add3A_192 = arith.addi %mul3A_190, %add3A_191 : i32
      %dma_start3A_193 = arith.constant 0 : i32
      %dma_start3A_194 = tpu.memref_slice %arg6[%add3A_192, %dma_start3A_193] : memref<512x100xf32, #tpu.memory_space<vmem>> -> memref<1x100xf32, #tpu.memory_space<vmem>>
      %dma_start3A_195 = arith.constant 0 : i32
      %dma_start3A_196 = tpu.memref_slice %arg2[%squeeze3A_188, %dma_start3A_195] : memref<100001x100xf32, #tpu.memory_space<hbm>> -> memref<1x100xf32, #tpu.memory_space<hbm>>
      %dma_start3A_197 = arith.constant 0 : i32
      %dma_start3A_198 = tpu.memref_slice %arg6[%add3A_192, %dma_start3A_197] : memref<512x100xf32, #tpu.memory_space<vmem>> -> memref<1x100xf32, #tpu.memory_space<vmem>>
      %dma_start3A_199 = arith.constant 0 : i32
      %dma_start3A_200 = tpu.memref_slice %arg2[%squeeze3A_188, %dma_start3A_199] : memref<100001x100xf32, #tpu.memory_space<hbm>> -> memref<1x100xf32, #tpu.memory_space<hbm>>
      tpu.enqueue_dma source(%dma_start3A_200 : memref<1x100xf32, #tpu.memory_space<hbm>>) target(%dma_start3A_198 : memref<1x100xf32, #tpu.memory_space<vmem>>) target_semaphore(%arg7 : memref<!tpu.dma_semaphore, #tpu.memory_space<semaphore_mem>>)
      %slice3A_201 = vector.extract_strided_slice %get3A_21 {offsets = [13], sizes = [1], strides = [1]} : vector<16xi32> to vector<1xi32>
      %squeeze3A_202 = vector.extract %slice3A_201[0] : i32 from vector<1xi32>
      %mul3A_203 = arith.constant 16 : i32
      %mul3A_204 = arith.muli %scan3A_16, %mul3A_203 : i32
      %add3A_205 = arith.constant 13 : i32
      %add3A_206 = arith.addi %mul3A_204, %add3A_205 : i32
      %dma_start3A_207 = arith.constant 0 : i32
      %dma_start3A_208 = tpu.memref_slice %arg6[%add3A_206, %dma_start3A_207] : memref<512x100xf32, #tpu.memory_space<vmem>> -> memref<1x100xf32, #tpu.memory_space<vmem>>
      %dma_start3A_209 = arith.constant 0 : i32
      %dma_start3A_210 = tpu.memref_slice %arg2[%squeeze3A_202, %dma_start3A_209] : memref<100001x100xf32, #tpu.memory_space<hbm>> -> memref<1x100xf32, #tpu.memory_space<hbm>>
      %dma_start3A_211 = arith.constant 0 : i32
      %dma_start3A_212 = tpu.memref_slice %arg6[%add3A_206, %dma_start3A_211] : memref<512x100xf32, #tpu.memory_space<vmem>> -> memref<1x100xf32, #tpu.memory_space<vmem>>
      %dma_start3A_213 = arith.constant 0 : i32
      %dma_start3A_214 = tpu.memref_slice %arg2[%squeeze3A_202, %dma_start3A_213] : memref<100001x100xf32, #tpu.memory_space<hbm>> -> memref<1x100xf32, #tpu.memory_space<hbm>>
      tpu.enqueue_dma source(%dma_start3A_214 : memref<1x100xf32, #tpu.memory_space<hbm>>) target(%dma_start3A_212 : memref<1x100xf32, #tpu.memory_space<vmem>>) target_semaphore(%arg7 : memref<!tpu.dma_semaphore, #tpu.memory_space<semaphore_mem>>)
      %slice3A_215 = vector.extract_strided_slice %get3A_21 {offsets = [14], sizes = [1], strides = [1]} : vector<16xi32> to vector<1xi32>
      %squeeze3A_216 = vector.extract %slice3A_215[0] : i32 from vector<1xi32>
      %mul3A_217 = arith.constant 16 : i32
      %mul3A_218 = arith.muli %scan3A_16, %mul3A_217 : i32
      %add3A_219 = arith.constant 14 : i32
      %add3A_220 = arith.addi %mul3A_218, %add3A_219 : i32
      %dma_start3A_221 = arith.constant 0 : i32
      %dma_start3A_222 = tpu.memref_slice %arg6[%add3A_220, %dma_start3A_221] : memref<512x100xf32, #tpu.memory_space<vmem>> -> memref<1x100xf32, #tpu.memory_space<vmem>>
      %dma_start3A_223 = arith.constant 0 : i32
      %dma_start3A_224 = tpu.memref_slice %arg2[%squeeze3A_216, %dma_start3A_223] : memref<100001x100xf32, #tpu.memory_space<hbm>> -> memref<1x100xf32, #tpu.memory_space<hbm>>
      %dma_start3A_225 = arith.constant 0 : i32
      %dma_start3A_226 = tpu.memref_slice %arg6[%add3A_220, %dma_start3A_225] : memref<512x100xf32, #tpu.memory_space<vmem>> -> memref<1x100xf32, #tpu.memory_space<vmem>>
      %dma_start3A_227 = arith.constant 0 : i32
      %dma_start3A_228 = tpu.memref_slice %arg2[%squeeze3A_216, %dma_start3A_227] : memref<100001x100xf32, #tpu.memory_space<hbm>> -> memref<1x100xf32, #tpu.memory_space<hbm>>
      tpu.enqueue_dma source(%dma_start3A_228 : memref<1x100xf32, #tpu.memory_space<hbm>>) target(%dma_start3A_226 : memref<1x100xf32, #tpu.memory_space<vmem>>) target_semaphore(%arg7 : memref<!tpu.dma_semaphore, #tpu.memory_space<semaphore_mem>>)
      %slice3A_229 = vector.extract_strided_slice %get3A_21 {offsets = [15], sizes = [1], strides = [1]} : vector<16xi32> to vector<1xi32>
      %squeeze3A_230 = vector.extract %slice3A_229[0] : i32 from vector<1xi32>
      %mul3A_231 = arith.constant 16 : i32
      %mul3A_232 = arith.muli %scan3A_16, %mul3A_231 : i32
      %add3A_233 = arith.constant 15 : i32
      %add3A_234 = arith.addi %mul3A_232, %add3A_233 : i32
      %dma_start3A_235 = arith.constant 0 : i32
      %dma_start3A_236 = tpu.memref_slice %arg6[%add3A_234, %dma_start3A_235] : memref<512x100xf32, #tpu.memory_space<vmem>> -> memref<1x100xf32, #tpu.memory_space<vmem>>
      %dma_start3A_237 = arith.constant 0 : i32
      %dma_start3A_238 = tpu.memref_slice %arg2[%squeeze3A_230, %dma_start3A_237] : memref<100001x100xf32, #tpu.memory_space<hbm>> -> memref<1x100xf32, #tpu.memory_space<hbm>>
      %dma_start3A_239 = arith.constant 0 : i32
      %dma_start3A_240 = tpu.memref_slice %arg6[%add3A_234, %dma_start3A_239] : memref<512x100xf32, #tpu.memory_space<vmem>> -> memref<1x100xf32, #tpu.memory_space<vmem>>
      %dma_start3A_241 = arith.constant 0 : i32
      %dma_start3A_242 = tpu.memref_slice %arg2[%squeeze3A_230, %dma_start3A_241] : memref<100001x100xf32, #tpu.memory_space<hbm>> -> memref<1x100xf32, #tpu.memory_space<hbm>>
      tpu.enqueue_dma source(%dma_start3A_242 : memref<1x100xf32, #tpu.memory_space<hbm>>) target(%dma_start3A_240 : memref<1x100xf32, #tpu.memory_space<vmem>>) target_semaphore(%arg7 : memref<!tpu.dma_semaphore, #tpu.memory_space<semaphore_mem>>)
      %ge3A = arith.constant 8 : i32
      %ge3A_243 = arith.cmpi sge, %scan3A_16, %ge3A : i32
      %convert_element_type3A = arith.extui %ge3A_243 : i1 to i32
      %cond3A = arith.constant 0 : i32
      %cond3A_244 = arith.cmpi ne, %convert_element_type3A, %cond3A : i32
      scf.if %cond3A_244 {
        %dma_wait3A = arith.constant 0 : i32
        %dma_wait3A_246 = arith.constant 0 : i32
        %dma_wait3A_247 = tpu.memref_slice %arg6[%dma_wait3A, %dma_wait3A_246] : memref<512x100xf32, #tpu.memory_space<vmem>> -> memref<1x100xf32, #tpu.memory_space<vmem>>
        %dma_wait3A_248 = arith.constant 0 : i32
        %dma_wait3A_249 = arith.constant 0 : i32
        %dma_wait3A_250 = tpu.memref_slice %arg2[%dma_wait3A_248, %dma_wait3A_249] : memref<100001x100xf32, #tpu.memory_space<hbm>> -> memref<1x100xf32, #tpu.memory_space<hbm>>
        %dma_wait3A_251 = arith.constant 0 : i32
        %dma_wait3A_252 = arith.constant 0 : i32
        %dma_wait3A_253 = tpu.memref_slice %arg6[%dma_wait3A_251, %dma_wait3A_252] : memref<512x100xf32, #tpu.memory_space<vmem>> -> memref<1x100xf32, #tpu.memory_space<vmem>>
        %dma_wait3A_254 = arith.constant 0 : i32
        %dma_wait3A_255 = arith.constant 0 : i32
        %dma_wait3A_256 = tpu.memref_slice %arg2[%dma_wait3A_254, %dma_wait3A_255] : memref<100001x100xf32, #tpu.memory_space<hbm>> -> memref<1x100xf32, #tpu.memory_space<hbm>>
        tpu.wait_dma2 semaphore(%arg7 : memref<!tpu.dma_semaphore, #tpu.memory_space<semaphore_mem>>) src(%dma_wait3A_256 : memref<1x100xf32, #tpu.memory_space<hbm>>) dst(%dma_wait3A_253 : memref<1x100xf32, #tpu.memory_space<vmem>>)
        %dma_wait3A_257 = arith.constant 0 : i32
        %dma_wait3A_258 = arith.constant 0 : i32
        %dma_wait3A_259 = tpu.memref_slice %arg6[%dma_wait3A_257, %dma_wait3A_258] : memref<512x100xf32, #tpu.memory_space<vmem>> -> memref<1x100xf32, #tpu.memory_space<vmem>>
        %dma_wait3A_260 = arith.constant 0 : i32
        %dma_wait3A_261 = arith.constant 0 : i32
        %dma_wait3A_262 = tpu.memref_slice %arg2[%dma_wait3A_260, %dma_wait3A_261] : memref<100001x100xf32, #tpu.memory_space<hbm>> -> memref<1x100xf32, #tpu.memory_space<hbm>>
        %dma_wait3A_263 = arith.constant 0 : i32
        %dma_wait3A_264 = arith.constant 0 : i32
        %dma_wait3A_265 = tpu.memref_slice %arg6[%dma_wait3A_263, %dma_wait3A_264] : memref<512x100xf32, #tpu.memory_space<vmem>> -> memref<1x100xf32, #tpu.memory_space<vmem>>
        %dma_wait3A_266 = arith.constant 0 : i32
        %dma_wait3A_267 = arith.constant 0 : i32
        %dma_wait3A_268 = tpu.memref_slice %arg2[%dma_wait3A_266, %dma_wait3A_267] : memref<100001x100xf32, #tpu.memory_space<hbm>> -> memref<1x100xf32, #tpu.memory_space<hbm>>
        tpu.wait_dma2 semaphore(%arg7 : memref<!tpu.dma_semaphore, #tpu.memory_space<semaphore_mem>>) src(%dma_wait3A_268 : memref<1x100xf32, #tpu.memory_space<hbm>>) dst(%dma_wait3A_265 : memref<1x100xf32, #tpu.memory_space<vmem>>)
        %dma_wait3A_269 = arith.constant 0 : i32
        %dma_wait3A_270 = arith.constant 0 : i32
        %dma_wait3A_271 = tpu.memref_slice %arg6[%dma_wait3A_269, %dma_wait3A_270] : memref<512x100xf32, #tpu.memory_space<vmem>> -> memref<1x100xf32, #tpu.memory_space<vmem>>
        %dma_wait3A_272 = arith.constant 0 : i32
        %dma_wait3A_273 = arith.constant 0 : i32
        %dma_wait3A_274 = tpu.memref_slice %arg2[%dma_wait3A_272, %dma_wait3A_273] : memref<100001x100xf32, #tpu.memory_space<hbm>> -> memref<1x100xf32, #tpu.memory_space<hbm>>
        %dma_wait3A_275 = arith.constant 0 : i32
        %dma_wait3A_276 = arith.constant 0 : i32
        %dma_wait3A_277 = tpu.memref_slice %arg6[%dma_wait3A_275, %dma_wait3A_276] : memref<512x100xf32, #tpu.memory_space<vmem>> -> memref<1x100xf32, #tpu.memory_space<vmem>>
        %dma_wait3A_278 = arith.constant 0 : i32
        %dma_wait3A_279 = arith.constant 0 : i32
        %dma_wait3A_280 = tpu.memref_slice %arg2[%dma_wait3A_278, %dma_wait3A_279] : memref<100001x100xf32, #tpu.memory_space<hbm>> -> memref<1x100xf32, #tpu.memory_space<hbm>>
        tpu.wait_dma2 semaphore(%arg7 : memref<!tpu.dma_semaphore, #tpu.memory_space<semaphore_mem>>) src(%dma_wait3A_280 : memref<1x100xf32, #tpu.memory_space<hbm>>) dst(%dma_wait3A_277 : memref<1x100xf32, #tpu.memory_space<vmem>>)
        %dma_wait3A_281 = arith.constant 0 : i32
        %dma_wait3A_282 = arith.constant 0 : i32
        %dma_wait3A_283 = tpu.memref_slice %arg6[%dma_wait3A_281, %dma_wait3A_282] : memref<512x100xf32, #tpu.memory_space<vmem>> -> memref<1x100xf32, #tpu.memory_space<vmem>>
        %dma_wait3A_284 = arith.constant 0 : i32
        %dma_wait3A_285 = arith.constant 0 : i32
        %dma_wait3A_286 = tpu.memref_slice %arg2[%dma_wait3A_284, %dma_wait3A_285] : memref<100001x100xf32, #tpu.memory_space<hbm>> -> memref<1x100xf32, #tpu.memory_space<hbm>>
        %dma_wait3A_287 = arith.constant 0 : i32
        %dma_wait3A_288 = arith.constant 0 : i32
        %dma_wait3A_289 = tpu.memref_slice %arg6[%dma_wait3A_287, %dma_wait3A_288] : memref<512x100xf32, #tpu.memory_space<vmem>> -> memref<1x100xf32, #tpu.memory_space<vmem>>
        %dma_wait3A_290 = arith.constant 0 : i32
        %dma_wait3A_291 = arith.constant 0 : i32
        %dma_wait3A_292 = tpu.memref_slice %arg2[%dma_wait3A_290, %dma_wait3A_291] : memref<100001x100xf32, #tpu.memory_space<hbm>> -> memref<1x100xf32, #tpu.memory_space<hbm>>
        tpu.wait_dma2 semaphore(%arg7 : memref<!tpu.dma_semaphore, #tpu.memory_space<semaphore_mem>>) src(%dma_wait3A_292 : memref<1x100xf32, #tpu.memory_space<hbm>>) dst(%dma_wait3A_289 : memref<1x100xf32, #tpu.memory_space<vmem>>)
        %dma_wait3A_293 = arith.constant 0 : i32
        %dma_wait3A_294 = arith.constant 0 : i32
        %dma_wait3A_295 = tpu.memref_slice %arg6[%dma_wait3A_293, %dma_wait3A_294] : memref<512x100xf32, #tpu.memory_space<vmem>> -> memref<1x100xf32, #tpu.memory_space<vmem>>
        %dma_wait3A_296 = arith.constant 0 : i32
        %dma_wait3A_297 = arith.constant 0 : i32
        %dma_wait3A_298 = tpu.memref_slice %arg2[%dma_wait3A_296, %dma_wait3A_297] : memref<100001x100xf32, #tpu.memory_space<hbm>> -> memref<1x100xf32, #tpu.memory_space<hbm>>
        %dma_wait3A_299 = arith.constant 0 : i32
        %dma_wait3A_300 = arith.constant 0 : i32
        %dma_wait3A_301 = tpu.memref_slice %arg6[%dma_wait3A_299, %dma_wait3A_300] : memref<512x100xf32, #tpu.memory_space<vmem>> -> memref<1x100xf32, #tpu.memory_space<vmem>>
        %dma_wait3A_302 = arith.constant 0 : i32
        %dma_wait3A_303 = arith.constant 0 : i32
        %dma_wait3A_304 = tpu.memref_slice %arg2[%dma_wait3A_302, %dma_wait3A_303] : memref<100001x100xf32, #tpu.memory_space<hbm>> -> memref<1x100xf32, #tpu.memory_space<hbm>>
        tpu.wait_dma2 semaphore(%arg7 : memref<!tpu.dma_semaphore, #tpu.memory_space<semaphore_mem>>) src(%dma_wait3A_304 : memref<1x100xf32, #tpu.memory_space<hbm>>) dst(%dma_wait3A_301 : memref<1x100xf32, #tpu.memory_space<vmem>>)
        %dma_wait3A_305 = arith.constant 0 : i32
        %dma_wait3A_306 = arith.constant 0 : i32
        %dma_wait3A_307 = tpu.memref_slice %arg6[%dma_wait3A_305, %dma_wait3A_306] : memref<512x100xf32, #tpu.memory_space<vmem>> -> memref<1x100xf32, #tpu.memory_space<vmem>>
        %dma_wait3A_308 = arith.constant 0 : i32
        %dma_wait3A_309 = arith.constant 0 : i32
        %dma_wait3A_310 = tpu.memref_slice %arg2[%dma_wait3A_308, %dma_wait3A_309] : memref<100001x100xf32, #tpu.memory_space<hbm>> -> memref<1x100xf32, #tpu.memory_space<hbm>>
        %dma_wait3A_311 = arith.constant 0 : i32
        %dma_wait3A_312 = arith.constant 0 : i32
        %dma_wait3A_313 = tpu.memref_slice %arg6[%dma_wait3A_311, %dma_wait3A_312] : memref<512x100xf32, #tpu.memory_space<vmem>> -> memref<1x100xf32, #tpu.memory_space<vmem>>
        %dma_wait3A_314 = arith.constant 0 : i32
        %dma_wait3A_315 = arith.constant 0 : i32
        %dma_wait3A_316 = tpu.memref_slice %arg2[%dma_wait3A_314, %dma_wait3A_315] : memref<100001x100xf32, #tpu.memory_space<hbm>> -> memref<1x100xf32, #tpu.memory_space<hbm>>
        tpu.wait_dma2 semaphore(%arg7 : memref<!tpu.dma_semaphore, #tpu.memory_space<semaphore_mem>>) src(%dma_wait3A_316 : memref<1x100xf32, #tpu.memory_space<hbm>>) dst(%dma_wait3A_313 : memref<1x100xf32, #tpu.memory_space<vmem>>)
        %dma_wait3A_317 = arith.constant 0 : i32
        %dma_wait3A_318 = arith.constant 0 : i32
        %dma_wait3A_319 = tpu.memref_slice %arg6[%dma_wait3A_317, %dma_wait3A_318] : memref<512x100xf32, #tpu.memory_space<vmem>> -> memref<1x100xf32, #tpu.memory_space<vmem>>
        %dma_wait3A_320 = arith.constant 0 : i32
        %dma_wait3A_321 = arith.constant 0 : i32
        %dma_wait3A_322 = tpu.memref_slice %arg2[%dma_wait3A_320, %dma_wait3A_321] : memref<100001x100xf32, #tpu.memory_space<hbm>> -> memref<1x100xf32, #tpu.memory_space<hbm>>
        %dma_wait3A_323 = arith.constant 0 : i32
        %dma_wait3A_324 = arith.constant 0 : i32
        %dma_wait3A_325 = tpu.memref_slice %arg6[%dma_wait3A_323, %dma_wait3A_324] : memref<512x100xf32, #tpu.memory_space<vmem>> -> memref<1x100xf32, #tpu.memory_space<vmem>>
        %dma_wait3A_326 = arith.constant 0 : i32
        %dma_wait3A_327 = arith.constant 0 : i32
        %dma_wait3A_328 = tpu.memref_slice %arg2[%dma_wait3A_326, %dma_wait3A_327] : memref<100001x100xf32, #tpu.memory_space<hbm>> -> memref<1x100xf32, #tpu.memory_space<hbm>>
        tpu.wait_dma2 semaphore(%arg7 : memref<!tpu.dma_semaphore, #tpu.memory_space<semaphore_mem>>) src(%dma_wait3A_328 : memref<1x100xf32, #tpu.memory_space<hbm>>) dst(%dma_wait3A_325 : memref<1x100xf32, #tpu.memory_space<vmem>>)
        %dma_wait3A_329 = arith.constant 0 : i32
        %dma_wait3A_330 = arith.constant 0 : i32
        %dma_wait3A_331 = tpu.memref_slice %arg6[%dma_wait3A_329, %dma_wait3A_330] : memref<512x100xf32, #tpu.memory_space<vmem>> -> memref<1x100xf32, #tpu.memory_space<vmem>>
        %dma_wait3A_332 = arith.constant 0 : i32
        %dma_wait3A_333 = arith.constant 0 : i32
        %dma_wait3A_334 = tpu.memref_slice %arg2[%dma_wait3A_332, %dma_wait3A_333] : memref<100001x100xf32, #tpu.memory_space<hbm>> -> memref<1x100xf32, #tpu.memory_space<hbm>>
        %dma_wait3A_335 = arith.constant 0 : i32
        %dma_wait3A_336 = arith.constant 0 : i32
        %dma_wait3A_337 = tpu.memref_slice %arg6[%dma_wait3A_335, %dma_wait3A_336] : memref<512x100xf32, #tpu.memory_space<vmem>> -> memref<1x100xf32, #tpu.memory_space<vmem>>
        %dma_wait3A_338 = arith.constant 0 : i32
        %dma_wait3A_339 = arith.constant 0 : i32
        %dma_wait3A_340 = tpu.memref_slice %arg2[%dma_wait3A_338, %dma_wait3A_339] : memref<100001x100xf32, #tpu.memory_space<hbm>> -> memref<1x100xf32, #tpu.memory_space<hbm>>
        tpu.wait_dma2 semaphore(%arg7 : memref<!tpu.dma_semaphore, #tpu.memory_space<semaphore_mem>>) src(%dma_wait3A_340 : memref<1x100xf32, #tpu.memory_space<hbm>>) dst(%dma_wait3A_337 : memref<1x100xf32, #tpu.memory_space<vmem>>)
        %dma_wait3A_341 = arith.constant 0 : i32
        %dma_wait3A_342 = arith.constant 0 : i32
        %dma_wait3A_343 = tpu.memref_slice %arg6[%dma_wait3A_341, %dma_wait3A_342] : memref<512x100xf32, #tpu.memory_space<vmem>> -> memref<1x100xf32, #tpu.memory_space<vmem>>
        %dma_wait3A_344 = arith.constant 0 : i32
        %dma_wait3A_345 = arith.constant 0 : i32
        %dma_wait3A_346 = tpu.memref_slice %arg2[%dma_wait3A_344, %dma_wait3A_345] : memref<100001x100xf32, #tpu.memory_space<hbm>> -> memref<1x100xf32, #tpu.memory_space<hbm>>
        %dma_wait3A_347 = arith.constant 0 : i32
        %dma_wait3A_348 = arith.constant 0 : i32
        %dma_wait3A_349 = tpu.memref_slice %arg6[%dma_wait3A_347, %dma_wait3A_348] : memref<512x100xf32, #tpu.memory_space<vmem>> -> memref<1x100xf32, #tpu.memory_space<vmem>>
        %dma_wait3A_350 = arith.constant 0 : i32
        %dma_wait3A_351 = arith.constant 0 : i32
        %dma_wait3A_352 = tpu.memref_slice %arg2[%dma_wait3A_350, %dma_wait3A_351] : memref<100001x100xf32, #tpu.memory_space<hbm>> -> memref<1x100xf32, #tpu.memory_space<hbm>>
        tpu.wait_dma2 semaphore(%arg7 : memref<!tpu.dma_semaphore, #tpu.memory_space<semaphore_mem>>) src(%dma_wait3A_352 : memref<1x100xf32, #tpu.memory_space<hbm>>) dst(%dma_wait3A_349 : memref<1x100xf32, #tpu.memory_space<vmem>>)
        %dma_wait3A_353 = arith.constant 0 : i32
        %dma_wait3A_354 = arith.constant 0 : i32
        %dma_wait3A_355 = tpu.memref_slice %arg6[%dma_wait3A_353, %dma_wait3A_354] : memref<512x100xf32, #tpu.memory_space<vmem>> -> memref<1x100xf32, #tpu.memory_space<vmem>>
        %dma_wait3A_356 = arith.constant 0 : i32
        %dma_wait3A_357 = arith.constant 0 : i32
        %dma_wait3A_358 = tpu.memref_slice %arg2[%dma_wait3A_356, %dma_wait3A_357] : memref<100001x100xf32, #tpu.memory_space<hbm>> -> memref<1x100xf32, #tpu.memory_space<hbm>>
        %dma_wait3A_359 = arith.constant 0 : i32
        %dma_wait3A_360 = arith.constant 0 : i32
        %dma_wait3A_361 = tpu.memref_slice %arg6[%dma_wait3A_359, %dma_wait3A_360] : memref<512x100xf32, #tpu.memory_space<vmem>> -> memref<1x100xf32, #tpu.memory_space<vmem>>
        %dma_wait3A_362 = arith.constant 0 : i32
        %dma_wait3A_363 = arith.constant 0 : i32
        %dma_wait3A_364 = tpu.memref_slice %arg2[%dma_wait3A_362, %dma_wait3A_363] : memref<100001x100xf32, #tpu.memory_space<hbm>> -> memref<1x100xf32, #tpu.memory_space<hbm>>
        tpu.wait_dma2 semaphore(%arg7 : memref<!tpu.dma_semaphore, #tpu.memory_space<semaphore_mem>>) src(%dma_wait3A_364 : memref<1x100xf32, #tpu.memory_space<hbm>>) dst(%dma_wait3A_361 : memref<1x100xf32, #tpu.memory_space<vmem>>)
        %dma_wait3A_365 = arith.constant 0 : i32
        %dma_wait3A_366 = arith.constant 0 : i32
        %dma_wait3A_367 = tpu.memref_slice %arg6[%dma_wait3A_365, %dma_wait3A_366] : memref<512x100xf32, #tpu.memory_space<vmem>> -> memref<1x100xf32, #tpu.memory_space<vmem>>
        %dma_wait3A_368 = arith.constant 0 : i32
        %dma_wait3A_369 = arith.constant 0 : i32
        %dma_wait3A_370 = tpu.memref_slice %arg2[%dma_wait3A_368, %dma_wait3A_369] : memref<100001x100xf32, #tpu.memory_space<hbm>> -> memref<1x100xf32, #tpu.memory_space<hbm>>
        %dma_wait3A_371 = arith.constant 0 : i32
        %dma_wait3A_372 = arith.constant 0 : i32
        %dma_wait3A_373 = tpu.memref_slice %arg6[%dma_wait3A_371, %dma_wait3A_372] : memref<512x100xf32, #tpu.memory_space<vmem>> -> memref<1x100xf32, #tpu.memory_space<vmem>>
        %dma_wait3A_374 = arith.constant 0 : i32
        %dma_wait3A_375 = arith.constant 0 : i32
        %dma_wait3A_376 = tpu.memref_slice %arg2[%dma_wait3A_374, %dma_wait3A_375] : memref<100001x100xf32, #tpu.memory_space<hbm>> -> memref<1x100xf32, #tpu.memory_space<hbm>>
        tpu.wait_dma2 semaphore(%arg7 : memref<!tpu.dma_semaphore, #tpu.memory_space<semaphore_mem>>) src(%dma_wait3A_376 : memref<1x100xf32, #tpu.memory_space<hbm>>) dst(%dma_wait3A_373 : memref<1x100xf32, #tpu.memory_space<vmem>>)
        %dma_wait3A_377 = arith.constant 0 : i32
        %dma_wait3A_378 = arith.constant 0 : i32
        %dma_wait3A_379 = tpu.memref_slice %arg6[%dma_wait3A_377, %dma_wait3A_378] : memref<512x100xf32, #tpu.memory_space<vmem>> -> memref<1x100xf32, #tpu.memory_space<vmem>>
        %dma_wait3A_380 = arith.constant 0 : i32
        %dma_wait3A_381 = arith.constant 0 : i32
        %dma_wait3A_382 = tpu.memref_slice %arg2[%dma_wait3A_380, %dma_wait3A_381] : memref<100001x100xf32, #tpu.memory_space<hbm>> -> memref<1x100xf32, #tpu.memory_space<hbm>>
        %dma_wait3A_383 = arith.constant 0 : i32
        %dma_wait3A_384 = arith.constant 0 : i32
        %dma_wait3A_385 = tpu.memref_slice %arg6[%dma_wait3A_383, %dma_wait3A_384] : memref<512x100xf32, #tpu.memory_space<vmem>> -> memref<1x100xf32, #tpu.memory_space<vmem>>
        %dma_wait3A_386 = arith.constant 0 : i32
        %dma_wait3A_387 = arith.constant 0 : i32
        %dma_wait3A_388 = tpu.memref_slice %arg2[%dma_wait3A_386, %dma_wait3A_387] : memref<100001x100xf32, #tpu.memory_space<hbm>> -> memref<1x100xf32, #tpu.memory_space<hbm>>
        tpu.wait_dma2 semaphore(%arg7 : memref<!tpu.dma_semaphore, #tpu.memory_space<semaphore_mem>>) src(%dma_wait3A_388 : memref<1x100xf32, #tpu.memory_space<hbm>>) dst(%dma_wait3A_385 : memref<1x100xf32, #tpu.memory_space<vmem>>)
        %dma_wait3A_389 = arith.constant 0 : i32
        %dma_wait3A_390 = arith.constant 0 : i32
        %dma_wait3A_391 = tpu.memref_slice %arg6[%dma_wait3A_389, %dma_wait3A_390] : memref<512x100xf32, #tpu.memory_space<vmem>> -> memref<1x100xf32, #tpu.memory_space<vmem>>
        %dma_wait3A_392 = arith.constant 0 : i32
        %dma_wait3A_393 = arith.constant 0 : i32
        %dma_wait3A_394 = tpu.memref_slice %arg2[%dma_wait3A_392, %dma_wait3A_393] : memref<100001x100xf32, #tpu.memory_space<hbm>> -> memref<1x100xf32, #tpu.memory_space<hbm>>
        %dma_wait3A_395 = arith.constant 0 : i32
        %dma_wait3A_396 = arith.constant 0 : i32
        %dma_wait3A_397 = tpu.memref_slice %arg6[%dma_wait3A_395, %dma_wait3A_396] : memref<512x100xf32, #tpu.memory_space<vmem>> -> memref<1x100xf32, #tpu.memory_space<vmem>>
        %dma_wait3A_398 = arith.constant 0 : i32
        %dma_wait3A_399 = arith.constant 0 : i32
        %dma_wait3A_400 = tpu.memref_slice %arg2[%dma_wait3A_398, %dma_wait3A_399] : memref<100001x100xf32, #tpu.memory_space<hbm>> -> memref<1x100xf32, #tpu.memory_space<hbm>>
        tpu.wait_dma2 semaphore(%arg7 : memref<!tpu.dma_semaphore, #tpu.memory_space<semaphore_mem>>) src(%dma_wait3A_400 : memref<1x100xf32, #tpu.memory_space<hbm>>) dst(%dma_wait3A_397 : memref<1x100xf32, #tpu.memory_space<vmem>>)
        %dma_wait3A_401 = arith.constant 0 : i32
        %dma_wait3A_402 = arith.constant 0 : i32
        %dma_wait3A_403 = tpu.memref_slice %arg6[%dma_wait3A_401, %dma_wait3A_402] : memref<512x100xf32, #tpu.memory_space<vmem>> -> memref<1x100xf32, #tpu.memory_space<vmem>>
        %dma_wait3A_404 = arith.constant 0 : i32
        %dma_wait3A_405 = arith.constant 0 : i32
        %dma_wait3A_406 = tpu.memref_slice %arg2[%dma_wait3A_404, %dma_wait3A_405] : memref<100001x100xf32, #tpu.memory_space<hbm>> -> memref<1x100xf32, #tpu.memory_space<hbm>>
        %dma_wait3A_407 = arith.constant 0 : i32
        %dma_wait3A_408 = arith.constant 0 : i32
        %dma_wait3A_409 = tpu.memref_slice %arg6[%dma_wait3A_407, %dma_wait3A_408] : memref<512x100xf32, #tpu.memory_space<vmem>> -> memref<1x100xf32, #tpu.memory_space<vmem>>
        %dma_wait3A_410 = arith.constant 0 : i32
        %dma_wait3A_411 = arith.constant 0 : i32
        %dma_wait3A_412 = tpu.memref_slice %arg2[%dma_wait3A_410, %dma_wait3A_411] : memref<100001x100xf32, #tpu.memory_space<hbm>> -> memref<1x100xf32, #tpu.memory_space<hbm>>
        tpu.wait_dma2 semaphore(%arg7 : memref<!tpu.dma_semaphore, #tpu.memory_space<semaphore_mem>>) src(%dma_wait3A_412 : memref<1x100xf32, #tpu.memory_space<hbm>>) dst(%dma_wait3A_409 : memref<1x100xf32, #tpu.memory_space<vmem>>)
        %dma_wait3A_413 = arith.constant 0 : i32
        %dma_wait3A_414 = arith.constant 0 : i32
        %dma_wait3A_415 = tpu.memref_slice %arg6[%dma_wait3A_413, %dma_wait3A_414] : memref<512x100xf32, #tpu.memory_space<vmem>> -> memref<1x100xf32, #tpu.memory_space<vmem>>
        %dma_wait3A_416 = arith.constant 0 : i32
        %dma_wait3A_417 = arith.constant 0 : i32
        %dma_wait3A_418 = tpu.memref_slice %arg2[%dma_wait3A_416, %dma_wait3A_417] : memref<100001x100xf32, #tpu.memory_space<hbm>> -> memref<1x100xf32, #tpu.memory_space<hbm>>
        %dma_wait3A_419 = arith.constant 0 : i32
        %dma_wait3A_420 = arith.constant 0 : i32
        %dma_wait3A_421 = tpu.memref_slice %arg6[%dma_wait3A_419, %dma_wait3A_420] : memref<512x100xf32, #tpu.memory_space<vmem>> -> memref<1x100xf32, #tpu.memory_space<vmem>>
        %dma_wait3A_422 = arith.constant 0 : i32
        %dma_wait3A_423 = arith.constant 0 : i32
        %dma_wait3A_424 = tpu.memref_slice %arg2[%dma_wait3A_422, %dma_wait3A_423] : memref<100001x100xf32, #tpu.memory_space<hbm>> -> memref<1x100xf32, #tpu.memory_space<hbm>>
        tpu.wait_dma2 semaphore(%arg7 : memref<!tpu.dma_semaphore, #tpu.memory_space<semaphore_mem>>) src(%dma_wait3A_424 : memref<1x100xf32, #tpu.memory_space<hbm>>) dst(%dma_wait3A_421 : memref<1x100xf32, #tpu.memory_space<vmem>>)
        %dma_wait3A_425 = arith.constant 0 : i32
        %dma_wait3A_426 = arith.constant 0 : i32
        %dma_wait3A_427 = tpu.memref_slice %arg6[%dma_wait3A_425, %dma_wait3A_426] : memref<512x100xf32, #tpu.memory_space<vmem>> -> memref<1x100xf32, #tpu.memory_space<vmem>>
        %dma_wait3A_428 = arith.constant 0 : i32
        %dma_wait3A_429 = arith.constant 0 : i32
        %dma_wait3A_430 = tpu.memref_slice %arg2[%dma_wait3A_428, %dma_wait3A_429] : memref<100001x100xf32, #tpu.memory_space<hbm>> -> memref<1x100xf32, #tpu.memory_space<hbm>>
        %dma_wait3A_431 = arith.constant 0 : i32
        %dma_wait3A_432 = arith.constant 0 : i32
        %dma_wait3A_433 = tpu.memref_slice %arg6[%dma_wait3A_431, %dma_wait3A_432] : memref<512x100xf32, #tpu.memory_space<vmem>> -> memref<1x100xf32, #tpu.memory_space<vmem>>
        %dma_wait3A_434 = arith.constant 0 : i32
        %dma_wait3A_435 = arith.constant 0 : i32
        %dma_wait3A_436 = tpu.memref_slice %arg2[%dma_wait3A_434, %dma_wait3A_435] : memref<100001x100xf32, #tpu.memory_space<hbm>> -> memref<1x100xf32, #tpu.memory_space<hbm>>
        tpu.wait_dma2 semaphore(%arg7 : memref<!tpu.dma_semaphore, #tpu.memory_space<semaphore_mem>>) src(%dma_wait3A_436 : memref<1x100xf32, #tpu.memory_space<hbm>>) dst(%dma_wait3A_433 : memref<1x100xf32, #tpu.memory_space<vmem>>)
      } else {
      }
      %scan3A_245 = arith.constant 0 : i32
      scf.yield %scan3A_245 : i32
    }
    %scan3A_8 = arith.constant 32 : i32
    %scan3A_9 = arith.constant 0 : i32
    %scan3A_10 = arith.constant 0 : i32
    %scan3A_11 = arith.constant 8 : i32
    %scan3A_12 = arith.addi %scan3A_10, %scan3A_11 : i32
    %scan3A_13 = arith.constant 1 : i32
    %scan3A_14 = scf.for %scan3A_16 = %scan3A_10 to %scan3A_12 step %scan3A_13 iter_args(%scan3A_17 = %scan3A_9) -> (i32)  : i32 {
      %dma_wait3A = arith.constant 0 : i32
      %dma_wait3A_18 = arith.constant 0 : i32
      %dma_wait3A_19 = tpu.memref_slice %arg6[%dma_wait3A, %dma_wait3A_18] : memref<512x100xf32, #tpu.memory_space<vmem>> -> memref<1x100xf32, #tpu.memory_space<vmem>>
      %dma_wait3A_20 = arith.constant 0 : i32
      %dma_wait3A_21 = arith.constant 0 : i32
      %dma_wait3A_22 = tpu.memref_slice %arg2[%dma_wait3A_20, %dma_wait3A_21] : memref<100001x100xf32, #tpu.memory_space<hbm>> -> memref<1x100xf32, #tpu.memory_space<hbm>>
      %dma_wait3A_23 = arith.constant 0 : i32
      %dma_wait3A_24 = arith.constant 0 : i32
      %dma_wait3A_25 = tpu.memref_slice %arg6[%dma_wait3A_23, %dma_wait3A_24] : memref<512x100xf32, #tpu.memory_space<vmem>> -> memref<1x100xf32, #tpu.memory_space<vmem>>
      %dma_wait3A_26 = arith.constant 0 : i32
      %dma_wait3A_27 = arith.constant 0 : i32
      %dma_wait3A_28 = tpu.memref_slice %arg2[%dma_wait3A_26, %dma_wait3A_27] : memref<100001x100xf32, #tpu.memory_space<hbm>> -> memref<1x100xf32, #tpu.memory_space<hbm>>
      tpu.wait_dma2 semaphore(%arg7 : memref<!tpu.dma_semaphore, #tpu.memory_space<semaphore_mem>>) src(%dma_wait3A_28 : memref<1x100xf32, #tpu.memory_space<hbm>>) dst(%dma_wait3A_25 : memref<1x100xf32, #tpu.memory_space<vmem>>)
      %dma_wait3A_29 = arith.constant 0 : i32
      %dma_wait3A_30 = arith.constant 0 : i32
      %dma_wait3A_31 = tpu.memref_slice %arg6[%dma_wait3A_29, %dma_wait3A_30] : memref<512x100xf32, #tpu.memory_space<vmem>> -> memref<1x100xf32, #tpu.memory_space<vmem>>
      %dma_wait3A_32 = arith.constant 0 : i32
      %dma_wait3A_33 = arith.constant 0 : i32
      %dma_wait3A_34 = tpu.memref_slice %arg2[%dma_wait3A_32, %dma_wait3A_33] : memref<100001x100xf32, #tpu.memory_space<hbm>> -> memref<1x100xf32, #tpu.memory_space<hbm>>
      %dma_wait3A_35 = arith.constant 0 : i32
      %dma_wait3A_36 = arith.constant 0 : i32
      %dma_wait3A_37 = tpu.memref_slice %arg6[%dma_wait3A_35, %dma_wait3A_36] : memref<512x100xf32, #tpu.memory_space<vmem>> -> memref<1x100xf32, #tpu.memory_space<vmem>>
      %dma_wait3A_38 = arith.constant 0 : i32
      %dma_wait3A_39 = arith.constant 0 : i32
      %dma_wait3A_40 = tpu.memref_slice %arg2[%dma_wait3A_38, %dma_wait3A_39] : memref<100001x100xf32, #tpu.memory_space<hbm>> -> memref<1x100xf32, #tpu.memory_space<hbm>>
      tpu.wait_dma2 semaphore(%arg7 : memref<!tpu.dma_semaphore, #tpu.memory_space<semaphore_mem>>) src(%dma_wait3A_40 : memref<1x100xf32, #tpu.memory_space<hbm>>) dst(%dma_wait3A_37 : memref<1x100xf32, #tpu.memory_space<vmem>>)
      %dma_wait3A_41 = arith.constant 0 : i32
      %dma_wait3A_42 = arith.constant 0 : i32
      %dma_wait3A_43 = tpu.memref_slice %arg6[%dma_wait3A_41, %dma_wait3A_42] : memref<512x100xf32, #tpu.memory_space<vmem>> -> memref<1x100xf32, #tpu.memory_space<vmem>>
      %dma_wait3A_44 = arith.constant 0 : i32
      %dma_wait3A_45 = arith.constant 0 : i32
      %dma_wait3A_46 = tpu.memref_slice %arg2[%dma_wait3A_44, %dma_wait3A_45] : memref<100001x100xf32, #tpu.memory_space<hbm>> -> memref<1x100xf32, #tpu.memory_space<hbm>>
      %dma_wait3A_47 = arith.constant 0 : i32
      %dma_wait3A_48 = arith.constant 0 : i32
      %dma_wait3A_49 = tpu.memref_slice %arg6[%dma_wait3A_47, %dma_wait3A_48] : memref<512x100xf32, #tpu.memory_space<vmem>> -> memref<1x100xf32, #tpu.memory_space<vmem>>
      %dma_wait3A_50 = arith.constant 0 : i32
      %dma_wait3A_51 = arith.constant 0 : i32
      %dma_wait3A_52 = tpu.memref_slice %arg2[%dma_wait3A_50, %dma_wait3A_51] : memref<100001x100xf32, #tpu.memory_space<hbm>> -> memref<1x100xf32, #tpu.memory_space<hbm>>
      tpu.wait_dma2 semaphore(%arg7 : memref<!tpu.dma_semaphore, #tpu.memory_space<semaphore_mem>>) src(%dma_wait3A_52 : memref<1x100xf32, #tpu.memory_space<hbm>>) dst(%dma_wait3A_49 : memref<1x100xf32, #tpu.memory_space<vmem>>)
      %dma_wait3A_53 = arith.constant 0 : i32
      %dma_wait3A_54 = arith.constant 0 : i32
      %dma_wait3A_55 = tpu.memref_slice %arg6[%dma_wait3A_53, %dma_wait3A_54] : memref<512x100xf32, #tpu.memory_space<vmem>> -> memref<1x100xf32, #tpu.memory_space<vmem>>
      %dma_wait3A_56 = arith.constant 0 : i32
      %dma_wait3A_57 = arith.constant 0 : i32
      %dma_wait3A_58 = tpu.memref_slice %arg2[%dma_wait3A_56, %dma_wait3A_57] : memref<100001x100xf32, #tpu.memory_space<hbm>> -> memref<1x100xf32, #tpu.memory_space<hbm>>
      %dma_wait3A_59 = arith.constant 0 : i32
      %dma_wait3A_60 = arith.constant 0 : i32
      %dma_wait3A_61 = tpu.memref_slice %arg6[%dma_wait3A_59, %dma_wait3A_60] : memref<512x100xf32, #tpu.memory_space<vmem>> -> memref<1x100xf32, #tpu.memory_space<vmem>>
      %dma_wait3A_62 = arith.constant 0 : i32
      %dma_wait3A_63 = arith.constant 0 : i32
      %dma_wait3A_64 = tpu.memref_slice %arg2[%dma_wait3A_62, %dma_wait3A_63] : memref<100001x100xf32, #tpu.memory_space<hbm>> -> memref<1x100xf32, #tpu.memory_space<hbm>>
      tpu.wait_dma2 semaphore(%arg7 : memref<!tpu.dma_semaphore, #tpu.memory_space<semaphore_mem>>) src(%dma_wait3A_64 : memref<1x100xf32, #tpu.memory_space<hbm>>) dst(%dma_wait3A_61 : memref<1x100xf32, #tpu.memory_space<vmem>>)
      %dma_wait3A_65 = arith.constant 0 : i32
      %dma_wait3A_66 = arith.constant 0 : i32
      %dma_wait3A_67 = tpu.memref_slice %arg6[%dma_wait3A_65, %dma_wait3A_66] : memref<512x100xf32, #tpu.memory_space<vmem>> -> memref<1x100xf32, #tpu.memory_space<vmem>>
      %dma_wait3A_68 = arith.constant 0 : i32
      %dma_wait3A_69 = arith.constant 0 : i32
      %dma_wait3A_70 = tpu.memref_slice %arg2[%dma_wait3A_68, %dma_wait3A_69] : memref<100001x100xf32, #tpu.memory_space<hbm>> -> memref<1x100xf32, #tpu.memory_space<hbm>>
      %dma_wait3A_71 = arith.constant 0 : i32
      %dma_wait3A_72 = arith.constant 0 : i32
      %dma_wait3A_73 = tpu.memref_slice %arg6[%dma_wait3A_71, %dma_wait3A_72] : memref<512x100xf32, #tpu.memory_space<vmem>> -> memref<1x100xf32, #tpu.memory_space<vmem>>
      %dma_wait3A_74 = arith.constant 0 : i32
      %dma_wait3A_75 = arith.constant 0 : i32
      %dma_wait3A_76 = tpu.memref_slice %arg2[%dma_wait3A_74, %dma_wait3A_75] : memref<100001x100xf32, #tpu.memory_space<hbm>> -> memref<1x100xf32, #tpu.memory_space<hbm>>
      tpu.wait_dma2 semaphore(%arg7 : memref<!tpu.dma_semaphore, #tpu.memory_space<semaphore_mem>>) src(%dma_wait3A_76 : memref<1x100xf32, #tpu.memory_space<hbm>>) dst(%dma_wait3A_73 : memref<1x100xf32, #tpu.memory_space<vmem>>)
      %dma_wait3A_77 = arith.constant 0 : i32
      %dma_wait3A_78 = arith.constant 0 : i32
      %dma_wait3A_79 = tpu.memref_slice %arg6[%dma_wait3A_77, %dma_wait3A_78] : memref<512x100xf32, #tpu.memory_space<vmem>> -> memref<1x100xf32, #tpu.memory_space<vmem>>
      %dma_wait3A_80 = arith.constant 0 : i32
      %dma_wait3A_81 = arith.constant 0 : i32
      %dma_wait3A_82 = tpu.memref_slice %arg2[%dma_wait3A_80, %dma_wait3A_81] : memref<100001x100xf32, #tpu.memory_space<hbm>> -> memref<1x100xf32, #tpu.memory_space<hbm>>
      %dma_wait3A_83 = arith.constant 0 : i32
      %dma_wait3A_84 = arith.constant 0 : i32
      %dma_wait3A_85 = tpu.memref_slice %arg6[%dma_wait3A_83, %dma_wait3A_84] : memref<512x100xf32, #tpu.memory_space<vmem>> -> memref<1x100xf32, #tpu.memory_space<vmem>>
      %dma_wait3A_86 = arith.constant 0 : i32
      %dma_wait3A_87 = arith.constant 0 : i32
      %dma_wait3A_88 = tpu.memref_slice %arg2[%dma_wait3A_86, %dma_wait3A_87] : memref<100001x100xf32, #tpu.memory_space<hbm>> -> memref<1x100xf32, #tpu.memory_space<hbm>>
      tpu.wait_dma2 semaphore(%arg7 : memref<!tpu.dma_semaphore, #tpu.memory_space<semaphore_mem>>) src(%dma_wait3A_88 : memref<1x100xf32, #tpu.memory_space<hbm>>) dst(%dma_wait3A_85 : memref<1x100xf32, #tpu.memory_space<vmem>>)
      %dma_wait3A_89 = arith.constant 0 : i32
      %dma_wait3A_90 = arith.constant 0 : i32
      %dma_wait3A_91 = tpu.memref_slice %arg6[%dma_wait3A_89, %dma_wait3A_90] : memref<512x100xf32, #tpu.memory_space<vmem>> -> memref<1x100xf32, #tpu.memory_space<vmem>>
      %dma_wait3A_92 = arith.constant 0 : i32
      %dma_wait3A_93 = arith.constant 0 : i32
      %dma_wait3A_94 = tpu.memref_slice %arg2[%dma_wait3A_92, %dma_wait3A_93] : memref<100001x100xf32, #tpu.memory_space<hbm>> -> memref<1x100xf32, #tpu.memory_space<hbm>>
      %dma_wait3A_95 = arith.constant 0 : i32
      %dma_wait3A_96 = arith.constant 0 : i32
      %dma_wait3A_97 = tpu.memref_slice %arg6[%dma_wait3A_95, %dma_wait3A_96] : memref<512x100xf32, #tpu.memory_space<vmem>> -> memref<1x100xf32, #tpu.memory_space<vmem>>
      %dma_wait3A_98 = arith.constant 0 : i32
      %dma_wait3A_99 = arith.constant 0 : i32
      %dma_wait3A_100 = tpu.memref_slice %arg2[%dma_wait3A_98, %dma_wait3A_99] : memref<100001x100xf32, #tpu.memory_space<hbm>> -> memref<1x100xf32, #tpu.memory_space<hbm>>
      tpu.wait_dma2 semaphore(%arg7 : memref<!tpu.dma_semaphore, #tpu.memory_space<semaphore_mem>>) src(%dma_wait3A_100 : memref<1x100xf32, #tpu.memory_space<hbm>>) dst(%dma_wait3A_97 : memref<1x100xf32, #tpu.memory_space<vmem>>)
      %dma_wait3A_101 = arith.constant 0 : i32
      %dma_wait3A_102 = arith.constant 0 : i32
      %dma_wait3A_103 = tpu.memref_slice %arg6[%dma_wait3A_101, %dma_wait3A_102] : memref<512x100xf32, #tpu.memory_space<vmem>> -> memref<1x100xf32, #tpu.memory_space<vmem>>
      %dma_wait3A_104 = arith.constant 0 : i32
      %dma_wait3A_105 = arith.constant 0 : i32
      %dma_wait3A_106 = tpu.memref_slice %arg2[%dma_wait3A_104, %dma_wait3A_105] : memref<100001x100xf32, #tpu.memory_space<hbm>> -> memref<1x100xf32, #tpu.memory_space<hbm>>
      %dma_wait3A_107 = arith.constant 0 : i32
      %dma_wait3A_108 = arith.constant 0 : i32
      %dma_wait3A_109 = tpu.memref_slice %arg6[%dma_wait3A_107, %dma_wait3A_108] : memref<512x100xf32, #tpu.memory_space<vmem>> -> memref<1x100xf32, #tpu.memory_space<vmem>>
      %dma_wait3A_110 = arith.constant 0 : i32
      %dma_wait3A_111 = arith.constant 0 : i32
      %dma_wait3A_112 = tpu.memref_slice %arg2[%dma_wait3A_110, %dma_wait3A_111] : memref<100001x100xf32, #tpu.memory_space<hbm>> -> memref<1x100xf32, #tpu.memory_space<hbm>>
      tpu.wait_dma2 semaphore(%arg7 : memref<!tpu.dma_semaphore, #tpu.memory_space<semaphore_mem>>) src(%dma_wait3A_112 : memref<1x100xf32, #tpu.memory_space<hbm>>) dst(%dma_wait3A_109 : memref<1x100xf32, #tpu.memory_space<vmem>>)
      %dma_wait3A_113 = arith.constant 0 : i32
      %dma_wait3A_114 = arith.constant 0 : i32
      %dma_wait3A_115 = tpu.memref_slice %arg6[%dma_wait3A_113, %dma_wait3A_114] : memref<512x100xf32, #tpu.memory_space<vmem>> -> memref<1x100xf32, #tpu.memory_space<vmem>>
      %dma_wait3A_116 = arith.constant 0 : i32
      %dma_wait3A_117 = arith.constant 0 : i32
      %dma_wait3A_118 = tpu.memref_slice %arg2[%dma_wait3A_116, %dma_wait3A_117] : memref<100001x100xf32, #tpu.memory_space<hbm>> -> memref<1x100xf32, #tpu.memory_space<hbm>>
      %dma_wait3A_119 = arith.constant 0 : i32
      %dma_wait3A_120 = arith.constant 0 : i32
      %dma_wait3A_121 = tpu.memref_slice %arg6[%dma_wait3A_119, %dma_wait3A_120] : memref<512x100xf32, #tpu.memory_space<vmem>> -> memref<1x100xf32, #tpu.memory_space<vmem>>
      %dma_wait3A_122 = arith.constant 0 : i32
      %dma_wait3A_123 = arith.constant 0 : i32
      %dma_wait3A_124 = tpu.memref_slice %arg2[%dma_wait3A_122, %dma_wait3A_123] : memref<100001x100xf32, #tpu.memory_space<hbm>> -> memref<1x100xf32, #tpu.memory_space<hbm>>
      tpu.wait_dma2 semaphore(%arg7 : memref<!tpu.dma_semaphore, #tpu.memory_space<semaphore_mem>>) src(%dma_wait3A_124 : memref<1x100xf32, #tpu.memory_space<hbm>>) dst(%dma_wait3A_121 : memref<1x100xf32, #tpu.memory_space<vmem>>)
      %dma_wait3A_125 = arith.constant 0 : i32
      %dma_wait3A_126 = arith.constant 0 : i32
      %dma_wait3A_127 = tpu.memref_slice %arg6[%dma_wait3A_125, %dma_wait3A_126] : memref<512x100xf32, #tpu.memory_space<vmem>> -> memref<1x100xf32, #tpu.memory_space<vmem>>
      %dma_wait3A_128 = arith.constant 0 : i32
      %dma_wait3A_129 = arith.constant 0 : i32
      %dma_wait3A_130 = tpu.memref_slice %arg2[%dma_wait3A_128, %dma_wait3A_129] : memref<100001x100xf32, #tpu.memory_space<hbm>> -> memref<1x100xf32, #tpu.memory_space<hbm>>
      %dma_wait3A_131 = arith.constant 0 : i32
      %dma_wait3A_132 = arith.constant 0 : i32
      %dma_wait3A_133 = tpu.memref_slice %arg6[%dma_wait3A_131, %dma_wait3A_132] : memref<512x100xf32, #tpu.memory_space<vmem>> -> memref<1x100xf32, #tpu.memory_space<vmem>>
      %dma_wait3A_134 = arith.constant 0 : i32
      %dma_wait3A_135 = arith.constant 0 : i32
      %dma_wait3A_136 = tpu.memref_slice %arg2[%dma_wait3A_134, %dma_wait3A_135] : memref<100001x100xf32, #tpu.memory_space<hbm>> -> memref<1x100xf32, #tpu.memory_space<hbm>>
      tpu.wait_dma2 semaphore(%arg7 : memref<!tpu.dma_semaphore, #tpu.memory_space<semaphore_mem>>) src(%dma_wait3A_136 : memref<1x100xf32, #tpu.memory_space<hbm>>) dst(%dma_wait3A_133 : memref<1x100xf32, #tpu.memory_space<vmem>>)
      %dma_wait3A_137 = arith.constant 0 : i32
      %dma_wait3A_138 = arith.constant 0 : i32
      %dma_wait3A_139 = tpu.memref_slice %arg6[%dma_wait3A_137, %dma_wait3A_138] : memref<512x100xf32, #tpu.memory_space<vmem>> -> memref<1x100xf32, #tpu.memory_space<vmem>>
      %dma_wait3A_140 = arith.constant 0 : i32
      %dma_wait3A_141 = arith.constant 0 : i32
      %dma_wait3A_142 = tpu.memref_slice %arg2[%dma_wait3A_140, %dma_wait3A_141] : memref<100001x100xf32, #tpu.memory_space<hbm>> -> memref<1x100xf32, #tpu.memory_space<hbm>>
      %dma_wait3A_143 = arith.constant 0 : i32
      %dma_wait3A_144 = arith.constant 0 : i32
      %dma_wait3A_145 = tpu.memref_slice %arg6[%dma_wait3A_143, %dma_wait3A_144] : memref<512x100xf32, #tpu.memory_space<vmem>> -> memref<1x100xf32, #tpu.memory_space<vmem>>
      %dma_wait3A_146 = arith.constant 0 : i32
      %dma_wait3A_147 = arith.constant 0 : i32
      %dma_wait3A_148 = tpu.memref_slice %arg2[%dma_wait3A_146, %dma_wait3A_147] : memref<100001x100xf32, #tpu.memory_space<hbm>> -> memref<1x100xf32, #tpu.memory_space<hbm>>
      tpu.wait_dma2 semaphore(%arg7 : memref<!tpu.dma_semaphore, #tpu.memory_space<semaphore_mem>>) src(%dma_wait3A_148 : memref<1x100xf32, #tpu.memory_space<hbm>>) dst(%dma_wait3A_145 : memref<1x100xf32, #tpu.memory_space<vmem>>)
      %dma_wait3A_149 = arith.constant 0 : i32
      %dma_wait3A_150 = arith.constant 0 : i32
      %dma_wait3A_151 = tpu.memref_slice %arg6[%dma_wait3A_149, %dma_wait3A_150] : memref<512x100xf32, #tpu.memory_space<vmem>> -> memref<1x100xf32, #tpu.memory_space<vmem>>
      %dma_wait3A_152 = arith.constant 0 : i32
      %dma_wait3A_153 = arith.constant 0 : i32
      %dma_wait3A_154 = tpu.memref_slice %arg2[%dma_wait3A_152, %dma_wait3A_153] : memref<100001x100xf32, #tpu.memory_space<hbm>> -> memref<1x100xf32, #tpu.memory_space<hbm>>
      %dma_wait3A_155 = arith.constant 0 : i32
      %dma_wait3A_156 = arith.constant 0 : i32
      %dma_wait3A_157 = tpu.memref_slice %arg6[%dma_wait3A_155, %dma_wait3A_156] : memref<512x100xf32, #tpu.memory_space<vmem>> -> memref<1x100xf32, #tpu.memory_space<vmem>>
      %dma_wait3A_158 = arith.constant 0 : i32
      %dma_wait3A_159 = arith.constant 0 : i32
      %dma_wait3A_160 = tpu.memref_slice %arg2[%dma_wait3A_158, %dma_wait3A_159] : memref<100001x100xf32, #tpu.memory_space<hbm>> -> memref<1x100xf32, #tpu.memory_space<hbm>>
      tpu.wait_dma2 semaphore(%arg7 : memref<!tpu.dma_semaphore, #tpu.memory_space<semaphore_mem>>) src(%dma_wait3A_160 : memref<1x100xf32, #tpu.memory_space<hbm>>) dst(%dma_wait3A_157 : memref<1x100xf32, #tpu.memory_space<vmem>>)
      %dma_wait3A_161 = arith.constant 0 : i32
      %dma_wait3A_162 = arith.constant 0 : i32
      %dma_wait3A_163 = tpu.memref_slice %arg6[%dma_wait3A_161, %dma_wait3A_162] : memref<512x100xf32, #tpu.memory_space<vmem>> -> memref<1x100xf32, #tpu.memory_space<vmem>>
      %dma_wait3A_164 = arith.constant 0 : i32
      %dma_wait3A_165 = arith.constant 0 : i32
      %dma_wait3A_166 = tpu.memref_slice %arg2[%dma_wait3A_164, %dma_wait3A_165] : memref<100001x100xf32, #tpu.memory_space<hbm>> -> memref<1x100xf32, #tpu.memory_space<hbm>>
      %dma_wait3A_167 = arith.constant 0 : i32
      %dma_wait3A_168 = arith.constant 0 : i32
      %dma_wait3A_169 = tpu.memref_slice %arg6[%dma_wait3A_167, %dma_wait3A_168] : memref<512x100xf32, #tpu.memory_space<vmem>> -> memref<1x100xf32, #tpu.memory_space<vmem>>
      %dma_wait3A_170 = arith.constant 0 : i32
      %dma_wait3A_171 = arith.constant 0 : i32
      %dma_wait3A_172 = tpu.memref_slice %arg2[%dma_wait3A_170, %dma_wait3A_171] : memref<100001x100xf32, #tpu.memory_space<hbm>> -> memref<1x100xf32, #tpu.memory_space<hbm>>
      tpu.wait_dma2 semaphore(%arg7 : memref<!tpu.dma_semaphore, #tpu.memory_space<semaphore_mem>>) src(%dma_wait3A_172 : memref<1x100xf32, #tpu.memory_space<hbm>>) dst(%dma_wait3A_169 : memref<1x100xf32, #tpu.memory_space<vmem>>)
      %dma_wait3A_173 = arith.constant 0 : i32
      %dma_wait3A_174 = arith.constant 0 : i32
      %dma_wait3A_175 = tpu.memref_slice %arg6[%dma_wait3A_173, %dma_wait3A_174] : memref<512x100xf32, #tpu.memory_space<vmem>> -> memref<1x100xf32, #tpu.memory_space<vmem>>
      %dma_wait3A_176 = arith.constant 0 : i32
      %dma_wait3A_177 = arith.constant 0 : i32
      %dma_wait3A_178 = tpu.memref_slice %arg2[%dma_wait3A_176, %dma_wait3A_177] : memref<100001x100xf32, #tpu.memory_space<hbm>> -> memref<1x100xf32, #tpu.memory_space<hbm>>
      %dma_wait3A_179 = arith.constant 0 : i32
      %dma_wait3A_180 = arith.constant 0 : i32
      %dma_wait3A_181 = tpu.memref_slice %arg6[%dma_wait3A_179, %dma_wait3A_180] : memref<512x100xf32, #tpu.memory_space<vmem>> -> memref<1x100xf32, #tpu.memory_space<vmem>>
      %dma_wait3A_182 = arith.constant 0 : i32
      %dma_wait3A_183 = arith.constant 0 : i32
      %dma_wait3A_184 = tpu.memref_slice %arg2[%dma_wait3A_182, %dma_wait3A_183] : memref<100001x100xf32, #tpu.memory_space<hbm>> -> memref<1x100xf32, #tpu.memory_space<hbm>>
      tpu.wait_dma2 semaphore(%arg7 : memref<!tpu.dma_semaphore, #tpu.memory_space<semaphore_mem>>) src(%dma_wait3A_184 : memref<1x100xf32, #tpu.memory_space<hbm>>) dst(%dma_wait3A_181 : memref<1x100xf32, #tpu.memory_space<vmem>>)
      %dma_wait3A_185 = arith.constant 0 : i32
      %dma_wait3A_186 = arith.constant 0 : i32
      %dma_wait3A_187 = tpu.memref_slice %arg6[%dma_wait3A_185, %dma_wait3A_186] : memref<512x100xf32, #tpu.memory_space<vmem>> -> memref<1x100xf32, #tpu.memory_space<vmem>>
      %dma_wait3A_188 = arith.constant 0 : i32
      %dma_wait3A_189 = arith.constant 0 : i32
      %dma_wait3A_190 = tpu.memref_slice %arg2[%dma_wait3A_188, %dma_wait3A_189] : memref<100001x100xf32, #tpu.memory_space<hbm>> -> memref<1x100xf32, #tpu.memory_space<hbm>>
      %dma_wait3A_191 = arith.constant 0 : i32
      %dma_wait3A_192 = arith.constant 0 : i32
      %dma_wait3A_193 = tpu.memref_slice %arg6[%dma_wait3A_191, %dma_wait3A_192] : memref<512x100xf32, #tpu.memory_space<vmem>> -> memref<1x100xf32, #tpu.memory_space<vmem>>
      %dma_wait3A_194 = arith.constant 0 : i32
      %dma_wait3A_195 = arith.constant 0 : i32
      %dma_wait3A_196 = tpu.memref_slice %arg2[%dma_wait3A_194, %dma_wait3A_195] : memref<100001x100xf32, #tpu.memory_space<hbm>> -> memref<1x100xf32, #tpu.memory_space<hbm>>
      tpu.wait_dma2 semaphore(%arg7 : memref<!tpu.dma_semaphore, #tpu.memory_space<semaphore_mem>>) src(%dma_wait3A_196 : memref<1x100xf32, #tpu.memory_space<hbm>>) dst(%dma_wait3A_193 : memref<1x100xf32, #tpu.memory_space<vmem>>)
      %dma_wait3A_197 = arith.constant 0 : i32
      %dma_wait3A_198 = arith.constant 0 : i32
      %dma_wait3A_199 = tpu.memref_slice %arg6[%dma_wait3A_197, %dma_wait3A_198] : memref<512x100xf32, #tpu.memory_space<vmem>> -> memref<1x100xf32, #tpu.memory_space<vmem>>
      %dma_wait3A_200 = arith.constant 0 : i32
      %dma_wait3A_201 = arith.constant 0 : i32
      %dma_wait3A_202 = tpu.memref_slice %arg2[%dma_wait3A_200, %dma_wait3A_201] : memref<100001x100xf32, #tpu.memory_space<hbm>> -> memref<1x100xf32, #tpu.memory_space<hbm>>
      %dma_wait3A_203 = arith.constant 0 : i32
      %dma_wait3A_204 = arith.constant 0 : i32
      %dma_wait3A_205 = tpu.memref_slice %arg6[%dma_wait3A_203, %dma_wait3A_204] : memref<512x100xf32, #tpu.memory_space<vmem>> -> memref<1x100xf32, #tpu.memory_space<vmem>>
      %dma_wait3A_206 = arith.constant 0 : i32
      %dma_wait3A_207 = arith.constant 0 : i32
      %dma_wait3A_208 = tpu.memref_slice %arg2[%dma_wait3A_206, %dma_wait3A_207] : memref<100001x100xf32, #tpu.memory_space<hbm>> -> memref<1x100xf32, #tpu.memory_space<hbm>>
      tpu.wait_dma2 semaphore(%arg7 : memref<!tpu.dma_semaphore, #tpu.memory_space<semaphore_mem>>) src(%dma_wait3A_208 : memref<1x100xf32, #tpu.memory_space<hbm>>) dst(%dma_wait3A_205 : memref<1x100xf32, #tpu.memory_space<vmem>>)
      %scan3A_209 = arith.constant 0 : i32
      scf.yield %scan3A_209 : i32
    }
    %scan3A_15 = arith.constant 8 : i32
    "tpu.region"() ({
      %run_scoped3A = tpu.sem_alloc : memref<!tpu.dma_semaphore, #tpu.memory_space<semaphore_mem>>
      %dma_start3A = arith.constant 0 : i32
      %dma_start3A_16 = tpu.memref_slice %arg4[%mul3A_2, %dma_start3A] : memref<16384x100xf32, #tpu.memory_space<hbm>> -> memref<512x100xf32, #tpu.memory_space<hbm>>
      %dma_start3A_17 = arith.constant 0 : i32
      %dma_start3A_18 = tpu.memref_slice %arg4[%mul3A_2, %dma_start3A_17] : memref<16384x100xf32, #tpu.memory_space<hbm>> -> memref<512x100xf32, #tpu.memory_space<hbm>>
      tpu.enqueue_dma source(%arg6 : memref<512x100xf32, #tpu.memory_space<vmem>>) target(%dma_start3A_18 : memref<512x100xf32, #tpu.memory_space<hbm>>) target_semaphore(%run_scoped3A : memref<!tpu.dma_semaphore, #tpu.memory_space<semaphore_mem>>)
      %dma_wait3A = arith.constant 0 : i32
      %dma_wait3A_19 = tpu.memref_slice %arg4[%mul3A_2, %dma_wait3A] : memref<16384x100xf32, #tpu.memory_space<hbm>> -> memref<512x100xf32, #tpu.memory_space<hbm>>
      %dma_wait3A_20 = arith.constant 0 : i32
      %dma_wait3A_21 = tpu.memref_slice %arg4[%mul3A_2, %dma_wait3A_20] : memref<16384x100xf32, #tpu.memory_space<hbm>> -> memref<512x100xf32, #tpu.memory_space<hbm>>
      tpu.wait_dma2 semaphore(%run_scoped3A : memref<!tpu.dma_semaphore, #tpu.memory_space<semaphore_mem>>) src(%arg6 : memref<512x100xf32, #tpu.memory_space<vmem>>) dst(%dma_wait3A_21 : memref<512x100xf32, #tpu.memory_space<hbm>>)
      tpu.yield
    }) : () -> ()
    return
  }
}

module attributes {stable_mosaic.version = 14 : i64} {
  func.func @_proj_body(%arg0: i32, %arg1: memref<400x100xf32, #tpu.memory_space<vmem>>, %arg2: memref<4096x100xf32, #tpu.memory_space<vmem>>, %arg3: memref<1x400xf32, #tpu.memory_space<vmem>>, %arg4: memref<400x4096xf32, #tpu.memory_space<vmem>>) attributes {dimension_semantics = [#tpu.dimension_semantics<arbitrary>], iteration_bounds = array<i64: 4>, scalar_prefetch = 0 : i64, scratch_operands = 0 : i64, tpu.core_type = #tpu.core_type<tc>, window_params = [{pipeline_mode = #tpu.pipeline_mode<synchronous>, transform_indices = @transform_0, window_bounds = array<i64: 400, 100>}, {transform_indices = @transform_1, window_bounds = array<i64: 4096, 100>}, {pipeline_mode = #tpu.pipeline_mode<synchronous>, transform_indices = @transform_2, window_bounds = array<i64: 1, 400>}, {transform_indices = @transform_3, window_bounds = array<i64: 400, 4096>}]} {
    %get3A = arith.constant 0 : index
    %get3A_0 = arith.constant 0 : index
    %get3A_1 = vector.load %arg1[%get3A, %get3A_0] : memref<400x100xf32, #tpu.memory_space<vmem>>, vector<400x100xf32>
    %get3A_2 = arith.constant 0 : index
    %get3A_3 = arith.constant 0 : index
    %get3A_4 = vector.load %arg2[%get3A_2, %get3A_3] : memref<4096x100xf32, #tpu.memory_space<vmem>>, vector<4096x100xf32>
    %dot_general3A = arith.constant dense<0.000000e+00> : vector<400x4096xf32>
    %dot_general3A_5 = tpu.matmul %get3A_1, %get3A_4, %dot_general3A {dimension_numbers = #tpu.dot_dimension_numbers<[1], [1], [0], [0], [0, 0, 1, 0], [], []>, transpose_lhs_hint = false} : vector<400x100xf32>, vector<4096x100xf32>, vector<400x4096xf32> -> vector<400x4096xf32>
    %get3A_6 = arith.constant 0 : index
    %get3A_7 = arith.constant 0 : index
    %get3A_8 = vector.load %arg3[%get3A_6, %get3A_7] : memref<1x400xf32, #tpu.memory_space<vmem>>, vector<1x400xf32>
    %transpose3A = tpu.transpose %get3A_8, [1, 0] : vector<1x400xf32> -> vector<400x1xf32>
    %add3A = vector.broadcast %transpose3A : vector<400x1xf32> to vector<400x4096xf32>
    %add3A_9 = arith.addf %dot_general3A_5, %add3A : vector<400x4096xf32>
    %max3A = arith.constant 0.000000e+00 : f32
    %max3A_10 = vector.broadcast %max3A : f32 to vector<400x4096xf32>
    %max3A_11 = arith.maximumf %add3A_9, %max3A_10 : vector<400x4096xf32>
    %swap3A = arith.constant 0 : index
    %swap3A_12 = arith.constant 0 : index
    %swap3A_13 = vector.load %arg4[%swap3A, %swap3A_12] : memref<400x4096xf32, #tpu.memory_space<vmem>>, vector<400x4096xf32>
    tpu.vector_store %arg4[%swap3A, %swap3A_12], %max3A_11 {strides = array<i32>} : memref<400x4096xf32, #tpu.memory_space<vmem>>, vector<400x4096xf32>,
    return
  }
  func.func @transform_0(%arg0: i32) -> (i32, i32) {
    %c0_i32 = arith.constant 0 : i32
    %c0_i32_0 = arith.constant 0 : i32
    %c0_i32_1 = arith.constant 0 : i32
    return %c0_i32, %c0_i32_0 : i32, i32
  }
  func.func @transform_1(%arg0: i32) -> (i32, i32) {
    %c0_i32 = arith.constant 0 : i32
    %c0_i32_0 = arith.constant 0 : i32
    return %arg0, %c0_i32 : i32, i32
  }
  func.func @transform_2(%arg0: i32) -> (i32, i32) {
    %c0_i32 = arith.constant 0 : i32
    %c0_i32_0 = arith.constant 0 : i32
    %c0_i32_1 = arith.constant 0 : i32
    return %c0_i32, %c0_i32_0 : i32, i32
  }
  func.func @transform_3(%arg0: i32) -> (i32, i32) {
    %c0_i32 = arith.constant 0 : i32
    %c0_i32_0 = arith.constant 0 : i32
    return %c0_i32, %arg0 : i32, i32
  }
}

</mosaic_0001>

<sc_bundles>
// kernel: kernel.4.cloned.1.call-start
scs
__scs_entry_jumppad:
0x0: {  	(pc) =	sbr.rel $0x88, $3  }
0x1: {  	(tag) =	ssettag $0x0;
	lr =	simm.s32 $0x1  }
0x2: {  	[smem:$0x3F9D] =	sst lr;
	_ =	strace $0xD0000000  }
0x3: {  	_ = 	snop  }
0x4: {  	_ = 	snop  }
0x5: {  	_ = 	snop  }
0x6: {  	_ = 	snop  }
0x7: {  	_ = 	snop  }
__scs_overlays_trampoline_lowered:
0x8: {  	[smem:$0x3FAC] =	sst s0  }
0x9: {  	[smem:$0x3FAD] =	sst s1  }
0xa: {  	[smem:$0x3FAE] =	sst s2  }
0xb: {  	[smem:$0x3FAF] =	sst s3  }
0xc: {  	[smem:$0x3FB0] =	sst s4  }
0xd: {  	[smem:$0x3FB1] =	sst s5  }
0xe: {  	[smem:$0x3FB2] =	sst s6  }
0xf: {  	[smem:$0x3FB3] =	sst s7  }
0x10: {  	[smem:$0x3FB4] =	sst s8  }
0x11: {  	[smem:$0x3FB5] =	sst s9;
	s0 =	simm.s32 @!p0 $0x0  }
0x12: {  	s1 =	sld [smem:$0x3F9B];
	s0 =	simm.s32 @p0 $0x1  }
0x13: {  	[smem:$0x3FB6] =	sst s0;
	s0 =	simm.s32 @!p1 $0x0  }
0x14: {  	s2 =	sld [smem:$0x3F9A];
	s0 =	simm.s32 @p1 $0x1  }
0x15: {  	[smem:$0x3FB7] =	sst s0;
	s0 =	simm.s32 @!p2 $0x0  }
0x16: {  	s3 =	sld [smem:$0x3FDB];
	s0 =	simm.s32 @p2 $0x1  }
0x17: {  	s4 =	simm.s32 $0x1BF5;
	[smem:$0x3FB9] =	sst s0  }
0x18: {  	s0 =	sld [smem:$0x3F9C];
	_ =	swait.ge [sflag:s4], $0x0  }
0x19: {  	s7 =	sld [smem:$0x3F9D]  }
0x1a: {  	s8 =	sadd.s32 $0xFFFFE003, lr  }
0x1b: {  	s9 =	sadd.s32 $0xFFFFFEF7, lr;
	s5 =	simm.s32 $0xFFFFFFFF;
	p2 =	slt.u32 s8, $0xFFFFF086  }
0x1c: {  	p1 =	slt.u32 s9, $0xF7A;
	s5 =	simm.s32 @!p2 $0x0  }
0x1d: {  	s5 =	simm.s32 @p1 $0x1;
	p0 =	seq.s32 s7, s2  }
0x1e: {  	s7 =	smul.u32 @!p0 $0xF7A, s2;
	p2 =	seq.s32 @!p0 s5, $0x0  }
0x1f: {  	s9 =	smul.u32 $0xF7A, s1;
	s8 =	simm.s32 @!p0 $0x1BF5;
	p2 =	por !p2, p0  }
0x20: {  	[sflag:s8] =	ssyncset.s32 @!p0 $0xFFFFF086;
	s6 =	sadd.s32 @!p0 s3, s7;
	s7 =	simm.s32 @!p0 $0x108  }
0x21: {  	s3 =	sadd.s32 s3, s9;
	s6 =	sadd.s32 @!p0 $0x88, s6;
	s7 =	simm.s32 @p2 $0x1082  }
0x22: {  	[simem:s7], [sflag:s8] =	dma.local @!p0 [hbm:s6], $0xF7A  }
0x23: {  	s9 =	sor.u32 $0xD0000000, s2;
	s6 =	simm.s32 $0x108;
	_ =	swait.ge @!p0 [sflag:s8], $0x0  }
0x24: {  	s3 =	sadd.s32 $0x88, s3;
	s6 =	simm.s32 @!p1 $0x1082;
	[sflag:s4] =	ssyncset.s32 $0xFFFFF086  }
0x25: {  	[simem:s6], [sflag:s4] =	dma.local [hbm:s3], $0xF7A  }
0x26: {  	[smem:$0x3F9D] =	sst s1;
	(tag) =	ssettag s2;
	_ =	strace s9  }
0x27: {  	s1 =	sld [smem:$0x3FAD]  }
0x28: {  	s2 =	sld [smem:$0x3FAE]  }
0x29: {  	s4 =	sld [smem:$0x3FB0]  }
0x2a: {  	p0 =	seq.s32 s5, $0x0;
	s5 =	sld [smem:$0x3FB1]  }
0x2b: {  	s6 =	sld [smem:$0x3FB2]  }
0x2c: {  	s7 =	sld [smem:$0x3FB3]  }
0x2d: {  	s3 =	simm.s32 $0x108;
	s8 =	sld [smem:$0x3FB4]  }
0x2e: {  	s3 =	simm.s32 @!p0 $0x1082;
	s9 =	sld [smem:$0x3FB5]  }
0x2f: {  	lr =	sadd.s32 s0, s3;
	s0 =	sld [smem:$0x3FAC]  }
0x30: {  	s3 =	sld [smem:$0x3FAF]  }
0x31: {  	[smem:$0x3FB8] =	sst s10  }
0x32: {  	s10 =	sld [smem:$0x3FB6];
	_ =	sdelay $0x3  }
0x33: {  	p0 =	seq.s32 s10, $0x1;
	s10 =	sld [smem:$0x3FB8];
	_ =	sdelay $0x3  }
0x34: {  	[smem:$0x3FB8] =	sst s10  }
0x35: {  	s10 =	sld [smem:$0x3FB7];
	_ =	sdelay $0x3  }
0x36: {  	p1 =	seq.s32 s10, $0x1;
	s10 =	sld [smem:$0x3FB8];
	_ =	sdelay $0x3  }
0x37: {  	[smem:$0x3FB8] =	sst s10  }
0x38: {  	s10 =	sld [smem:$0x3FB9]  }
0x39: {  	_ = 	snop;
	(pc) =	sbr.ind lr, $3  }
0x3a: {  	_ = 	snop  }
0x3b: {  	_ = 	snop  }
0x3c: {  	p2 =	seq.s32 s10, $0x1;
	s10 =	sld [smem:$0x3FB8]  }
0x3d: {  	_ =	shalt  }
0x3e: {  	_ =	shalt  }
0x3f: {  	_ =	shalt  }
0x40: {  	_ =	shalt  }
0x41: {  	_ =	shalt  }
0x42: {  	_ =	shalt  }
0x43: {  	_ =	shalt  }
0x44: {  	_ =	shalt  }
0x45: {  	_ =	shalt  }
0x46: {  	_ =	shalt  }
0x47: {  	_ =	shalt  }
0x48: {  	_ =	shalt  }
0x49: {  	_ =	shalt  }
0x4a: {  	_ =	shalt  }
0x4b: {  	_ =	shalt  }
0x4c: {  	_ =	shalt  }
0x4d: {  	_ =	shalt  }
0x4e: {  	_ =	shalt  }
0x4f: {  	_ =	shalt  }
0x50: {  	_ =	shalt  }
0x51: {  	_ =	shalt  }
0x52: {  	_ =	shalt  }
0x53: {  	_ =	shalt  }
0x54: {  	_ =	shalt  }
0x55: {  	_ =	shalt  }
0x56: {  	_ =	shalt  }
0x57: {  	_ =	shalt  }
0x58: {  	_ =	shalt  }
0x59: {  	_ =	shalt  }
0x5a: {  	_ =	shalt  }
0x5b: {  	_ =	shalt  }
0x5c: {  	_ =	shalt  }
0x5d: {  	_ =	shalt  }
0x5e: {  	_ =	shalt  }
0x5f: {  	_ =	shalt  }
0x60: {  	_ =	shalt  }
0x61: {  	_ =	shalt  }
0x62: {  	_ =	shalt  }
0x63: {  	_ =	shalt  }
0x64: {  	_ =	shalt  }
0x65: {  	_ =	shalt  }
0x66: {  	_ =	shalt  }
0x67: {  	_ =	shalt  }
0x68: {  	_ =	shalt  }
0x69: {  	_ =	shalt  }
0x6a: {  	_ =	shalt  }
0x6b: {  	_ =	shalt  }
0x6c: {  	_ =	shalt  }
0x6d: {  	_ =	shalt  }
0x6e: {  	_ =	shalt  }
0x6f: {  	_ =	shalt  }
0x70: {  	_ =	shalt  }
0x71: {  	_ =	shalt  }
0x72: {  	_ =	shalt  }
0x73: {  	_ =	shalt  }
0x74: {  	_ =	shalt  }
0x75: {  	_ =	shalt  }
0x76: {  	_ =	shalt  }
0x77: {  	_ =	shalt  }
0x78: {  	_ =	shalt  }
0x79: {  	_ =	shalt  }
0x7a: {  	_ =	shalt  }
0x7b: {  	_ =	shalt  }
0x7c: {  	_ =	shalt  }
0x7d: {  	_ =	shalt  }
0x7e: {  	_ =	shalt  }
0x7f: {  	_ =	shalt  }
0x80: {  	_ =	shalt  }
0x81: {  	_ =	shalt  }
0x82: {  	_ =	shalt  }
0x83: {  	_ =	shalt  }
0x84: {  	_ =	shalt  }
0x85: {  	_ =	shalt  }
0x86: {  	_ =	shalt  }
0x87: {  	_ =	shalt  }
.Lfunc_end0:
.L_simem_size_0:
called_computation_lowered:
.L_overlay_start_0:
0x88: {  	s2 =	sld [smem:$0x3FD9]  }
0x89: {  	s3 =	sld [smem:$0x3FFE];
	_ =	sdelay $0x1  }
0x8a: {  	s1 =	srdreg.scid  }
0x8b: {  	s0 =	sand.u32 $0x1, s1  }
0x8c: {  	s17 =	sshll.u32 s0, $0xA;
	s2 =	sadd.s32 s3, s2  }
0x8d: {  	s2 =	sadd.s32 s2, s17  }
0x8e: {  	[smem:$0x3FC4] =	sst s2  }
0x8f: {  	_ = 	snop  }
0x90: {  	s2 =	sld [smem:$0x3FC9]  }
0x91: {  	s18 =	sld [smem:$0x3FD0];
	(tm) =	ssettm $0x1  }
0x92: {  	s4 =	sld [smem:$0x3FFB];
	_ =	sdelay $0x3  }
0x93: {  	_ =	strace s4  }
0x94: {  	s4 =	sld [smem:$0x3FFC];
	_ =	sdelay $0x3  }
0x95: {  	_ =	strace s4  }
0x96: {  	s4 =	sld [smem:$0x3FFD];
	_ =	sdelay $0x3  }
0x97: {  	_ =	strace s4  }
0x98: {  	_ =	strace $0x8FFFFFFF  }
0x99: {  	s19 =	sld [smem:$0x3FDB];
	_ =	sdelay $0x1  }
0x9a: {  	s5 =	simm.s32 $_scs_section_size  }
0x9b: {  	s6 =	simm.s32 $_size__tile_overlayer_lowered;
	s7 =	simm.s32 $_tile_overlayer_lowered  }
0x9c: {  	s22 =	simm.s32 $0x1BFF;
	s21 =	sshll.u32 s7, $0x1;
	s4 =	sadd.s32 s5, s19  }
0x9d: {  	s8 =	simm.s32 $0x0;
	s20 =	sshll.u32 s6, $0x1;
	s6 =	sadd.s32 s21, s4  }
0x9e: {  	[timem:s8], [sflag:s22] =	dma.local [hbm:s6], s20  }
0x9f: {  	_ =	swait.ge [sflag:s22], s20  }
0xa0: {  	s5 =	ssub.s32 $0x0, s20;
	[sflag:s22] =	ssyncset.done $0x0  }
0xa1: {  	[sflag:s22] =	ssyncadd.s32 s5;
	_ =	sdelay $0x1  }
0xa2: {  	s23 =	simm.s32 $0x1B8B  }
0xa3: {  	_ =	swait.ge [sflag:s23], $0x1  }
0xa4: {  	[sflag:s23] =	ssyncset.done $0x0  }
0xa5: {  	s25 =	simm.s32 $0x1B8E;
	s24 =	sld [smem:$0x3FFE];
	[sflag:s23] =	ssyncadd.s32 $0xFFFFFFFF  }
0xa6: {  	s26 =	simm.s32 $execute0_lowered;
	[smem:$0x3FD2] =	sst s25  }
0xa7: {  	s6 =	sshll.u32 s26, $0x1;
	_ =	strace $0x80000046;
	[dreg:$0x1] =	wrdreg $0xFFFFFFFF  }
0xa8: {  	s28 =	simm.s32 $_size_execute0_lowered;
	s4 =	sadd.s32 s4, s6;
	[dreg:$0x0] =	wrdreg $0x0  }
0xa9: {  	s6 =	sshll.u32 s28, $0x1;
	[dreg:$0x2] =	wrdreg s4  }
0xaa: {  	[dreg:$0x3] =	wrdreg s6  }
0xab: {  	[dreg:$0x4] =	wrdreg $0xC0  }
0xac: {  	_ =	task [dreg:s8], $0x5FFFF  }
0xad: {  	[dreg:$0x1] =	wrdreg $0xFFFFFFFF  }
0xae: {  	[dreg:$0x0] =	wrdreg $0x60  }
0xaf: {  	[dreg:$0x2] =	wrdreg s24  }
0xb0: {  	[dreg:$0x3] =	wrdreg s2  }
0xb1: {  	[dreg:$0x4] =	wrdreg s18  }
0xb2: {  	[dreg:$0x5] =	wrdreg $0x9  }
0xb3: {  	_ =	task.clear_ibuf [dreg:s8], $0x6FFFF;
	_ =	strace $0x90000046  }
0xb4: {  	s29 =	simm.s32 $0x9;
	_ =	strace $0x80000048  }
0xb5: {  	_ =	swait.ge [sflag:s29], $0x1  }
0xb6: {  	[sflag:s29] =	ssyncadd.s32 $0xFFFFFFFF  }
0xb7: {  	_ =	strace $0x90000048  }
0xb8: {  	_ =	sfence  }
0xb9: {  	s30 =	sld [smem:$0x0];
	_ =	sdelay $0x2  }
0xba: {  	s31 =	sshll.u32 s1, $0xD;
	s1 =	sshrl.u32 s1, $0x2  }
0xbb: {  	s3 =	sand.u32 $0x4000, s31;
	s1 =	sadd.s32 s1, s30  }
0xbc: {  	s0 =	sor.u32 s3, s0;
	s1 =	sshll.u32 s1, $0x11  }
0xbd: {  	s0 =	sor.u32 s1, s0  }
0xbe: {  	s0 =	sadd.s32 $0x8F2B, s0  }
0xbf: {  	[sflag:s0] =	ssyncadd.remote.s32 $0x1  }
0xc0: {  	_ =	sfence.sel $0xFFFF  }
0xc1: {  	[dreg:$0x0] =	wrdreg $0xFFFFFFFF;
	(pc) =	sbr.abs _section_cstart, $3  }
0xc2: {  	[dreg:$0x1] =	wrdreg $0xFFFFFFFF  }
0xc3: {  	_ =	task.clear_ibuf [dreg:s8], $0x2FFFF;
	_ =	strace $0x9FFFFFFF  }
0xc4: {  	(tm) =	ssettm $0x7FFFFFFF  }
0xc5: {  	_ =	shalt  }
tec
execute0_lowered:
.L_overlay_start_1:
0x0: {  	(tag) =	ssettag $0x1  }
0x1: {  	s3 =	rddreg [dreg:$0x0]  }
0x2: {  	s4 =	rddreg [dreg:$0x1]  }
0x3: {  	s5 =	rddreg [dreg:$0x2];
	s6 =	srdreg.scid  }
0x4: {  	s2 =	simm.s32 $0x0;
	s0 =	stileid.u32;
	s10 =	simm.s32 $0x0  }
0x5: {  	s6 =	sand.u32 $0x1, s6;
	[smem:$0x7FF] =	sst s2;
	s7 =	sshll.u32 s0, $0xA  }
0x6: {  	s3 =	sadd.s32 $0xA00, s3;
	s8 =	sshll.u32 s6, $0x9;
	s6 =	ssub.s32 $0x2, s6  }
0x7: {  	_ =	strace $0x80000047;
	s7 =	sor.u32 s8, s7;
	s31 =	sshrl.u32 s6, $0x1  }
0x8: {  	s8 =	simm.s32 $0x1;
	s9 =	sshrl.u32 s7, $0x3;
	s7 =	sshll.u32 s7, $0x4  }
0x9: {  	s6 =	ssub.s32 s6, s31;
	s4 =	sadd.s32 s4, s9;
	s5 =	sadd.s32 s5, s7  }
0xa: {  	s6 =	smax.u32 s6, $0x1;
	s7 =	simm.s32 $0x2;
	s9 =	simm.s32 $0x200  }
.LBB2_1:
0xb: {  	[tilespmem:s2], [sflag:$0x2] =	stream.linear.gather [hbm4b:s4+s2], $0x200, $0x38;
	[tilespmem:$0x10200] =	vst v63  }
0xc: {  	_ =	swait.ge [sflag:s7], $0x200  }
0xd: {  	[sflag:s7] =	ssyncset.done $0x0  }
0xe: {  	[sflag:s7] =	ssyncadd.s32 $0xFFFFFE00  }
0xf: {  	v0 =	vld [tilespmem:s2+$0x0];
	_ =	sdelay $0x4  }
0x10: {  	v0 =	vshll.u32 v0, $0x4  }
0x11: {  	(v2sf) =	vpush v0, $0x0  }
0x12: {  	(v2sf) =	vpush v0, $0x1  }
0x13: {  	(v2sf) =	vpush v0, $0x2;
	_ =	sdelay $0x1  }
0x14: {  	(v2sf) =	vpush v0, $0x3;
	_ =	sdelay $0x1  }
0x15: {  	(v2sf) =	vpush v0, $0x4;
	_ =	sdelay $0x1  }
0x16: {  	(v2sf) =	vpush v0, $0x5;
	_ =	sdelay $0x1  }
0x17: {  	(v2sf) =	vpush v0, $0x6  }
0x18: {  	s13 =	simm.s32 $0x280;
	s14 =	simm.s32 $0x380;
	s15 =	simm.s32 $0x400  }
0x19: {  	s16 =	simm.s32 $0x200;
	s17 =	simm.s32 $0x300;
	s18 =	simm.s32 $0x480;
	(v2sf) =	vpush v0, $0x7  }
0x1a: {  	p0 =	por $0x1, $0x1;
	s19 =	simm.s32 $0x680;
	s11 =	simm.s32 $0x880  }
0x1b: {  	s20 =	simm.s32 $0x500;
	s21 =	simm.s32 $0x600;
	s12 =	simm.s32 $0x800;
	(v2sf) =	vpush v0, $0x8  }
0x1c: {  	s22 =	simm.s32 $0x580;
	s23 =	simm.s32 $0x780;
	s24 =	spop (v2sf)  }
0x1d: {  	s25 =	simm.s32 $0x700;
	(v2sf) =	vpush v0, $0x9;
	s24 =	sand.u32 $0x1FFFFFF0, s24;
	s26 =	spop (v2sf)  }
0x1e: {  	s24 =	sadd.s32 s3, s24;
	s26 =	sand.u32 $0x1FFFFFF0, s26;
	s28 =	spop (v2sf)  }
0x1f: {  	(v2sf) =	vpush v0, $0xA;
	[tilespmem:s16], [sflag:$0x1] =	stream.linear.gather [hbm4b:s24+s2], $0x80, $0x38;
	[tilespmem:$0x10200] =	vst v63  }
0x20: {  	s26 =	sadd.s32 s3, s26;
	s29 =	sand.u32 $0x1FFFFFF0, s28;
	s30 =	spop (v2sf)  }
0x21: {  	(v2sf) =	vpush v0, $0xB;
	[tilespmem:s13], [sflag:$0x1] =	stream.linear.gather [hbm4b:s26+s2], $0x80, $0x38;
	[tilespmem:$0x10200] =	vst v63  }
0x22: {  	s31 =	sadd.s32 s3, s29;
	s0 =	sand.u32 $0x1FFFFFF0, s30;
	s1 =	spop (v2sf)  }
0x23: {  	(v2sf) =	vpush v0, $0xC;
	[tilespmem:s17], [sflag:$0x1] =	stream.linear.gather [hbm4b:s31+s2], $0x80, $0x38;
	[tilespmem:$0x10200] =	vst v63  }
0x24: {  	s24 =	sand.u32 $0x1FFFFFF0, s1;
	s26 =	spop (v2sf);
	s17 =	sadd.s32 s3, s0  }
0x25: {  	(v2sf) =	vpush v0, $0xD;
	[tilespmem:s14], [sflag:$0x1] =	stream.linear.gather [hbm4b:s17+s2], $0x80, $0x38;
	[tilespmem:$0x10200] =	vst v63  }
0x26: {  	s28 =	sadd.s32 s3, s24;
	s29 =	sand.u32 $0x1FFFFFF0, s26;
	s30 =	spop (v2sf)  }
0x27: {  	(v2sf) =	vpush v0, $0xE;
	[tilespmem:s15], [sflag:$0x1] =	stream.linear.gather [hbm4b:s28+s2], $0x80, $0x38;
	[tilespmem:$0x10200] =	vst v63  }
0x28: {  	s31 =	sadd.s32 s3, s29;
	s0 =	sand.u32 $0x1FFFFFF0, s30;
	s1 =	spop (v2sf)  }
0x29: {  	(v2sf) =	vpush v0, $0xF;
	[tilespmem:s18], [sflag:$0x1] =	stream.linear.gather [hbm4b:s31+s2], $0x80, $0x38;
	[tilespmem:$0x10200] =	vst v63  }
0x2a: {  	s16 =	sadd.s32 s3, s0;
	s17 =	sand.u32 $0x1FFFFFF0, s1;
	s18 =	spop (v2sf)  }
0x2b: {  	[tilespmem:s20], [sflag:$0x1] =	stream.linear.gather [hbm4b:s16+s2], $0x80, $0x38;
	[tilespmem:$0x10200] =	vst v63  }
0x2c: {  	s24 =	sand.u32 $0x1FFFFFF0, s18;
	s20 =	sadd.s32 s3, s17;
	s26 =	spop (v2sf)  }
0x2d: {  	[tilespmem:s22], [sflag:$0x1] =	stream.linear.gather [hbm4b:s20+s2], $0x80, $0x38;
	[tilespmem:$0x10200] =	vst v63  }
0x2e: {  	s28 =	sadd.s32 s3, s24;
	s29 =	sand.u32 $0x1FFFFFF0, s26;
	s30 =	spop (v2sf)  }
0x2f: {  	[tilespmem:s21], [sflag:$0x1] =	stream.linear.gather [hbm4b:s28+s2], $0x80, $0x38;
	[tilespmem:$0x10200] =	vst v63  }
0x30: {  	s31 =	sadd.s32 s3, s29;
	s0 =	sand.u32 $0x1FFFFFF0, s30;
	s1 =	spop (v2sf)  }
0x31: {  	[tilespmem:s19], [sflag:$0x1] =	stream.linear.gather [hbm4b:s31+s2], $0x80, $0x38;
	[tilespmem:$0x10200] =	vst v63  }
0x32: {  	s14 =	sadd.s32 s3, s0;
	s15 =	sand.u32 $0x1FFFFFF0, s1;
	s16 =	spop (v2sf)  }
0x33: {  	[tilespmem:s25], [sflag:$0x1] =	stream.linear.gather [hbm4b:s14+s2], $0x80, $0x38;
	[tilespmem:$0x10200] =	vst v63  }
0x34: {  	s17 =	sadd.s32 s3, s15;
	s18 =	sand.u32 $0x1FFFFFF0, s16;
	s19 =	spop (v2sf)  }
0x35: {  	[tilespmem:s23], [sflag:$0x1] =	stream.linear.gather [hbm4b:s17+s2], $0x80, $0x38;
	[tilespmem:$0x10200] =	vst v63  }
0x36: {  	s20 =	sadd.s32 s3, s18;
	s21 =	sand.u32 $0x1FFFFFF0, s19;
	s22 =	spop (v2sf)  }
0x37: {  	[tilespmem:s12], [sflag:$0x1] =	stream.linear.gather [hbm4b:s20+s2], $0x80, $0x38;
	[tilespmem:$0x10200] =	vst v63  }
0x38: {  	s24 =	sand.u32 $0x1FFFFFF0, s22;
	s25 =	spop (v2sf);
	s23 =	sadd.s32 s3, s21  }
0x39: {  	[tilespmem:s11], [sflag:$0x1] =	stream.linear.gather [hbm4b:s23+s2], $0x80, $0x38;
	[tilespmem:$0x10200] =	vst v63  }
0x3a: {  	s26 =	simm.s32 $0x900;
	s28 =	sadd.s32 s3, s24;
	s29 =	sand.u32 $0x1FFFFFF0, s25  }
0x3b: {  	[tilespmem:s26], [sflag:$0x1] =	stream.linear.gather [hbm4b:s28+s2], $0x80, $0x38;
	[tilespmem:$0x10200] =	vst v63  }
0x3c: {  	s30 =	simm.s32 $0x980;
	s14 =	simm.s32 @!p0 $0x1;
	s31 =	sadd.s32 s3, s29  }
0x3d: {  	[tilespmem:s30], [sflag:$0x1] =	stream.linear.gather [hbm4b:s31+s2], $0x80, $0x38;
	[tilespmem:$0x10200] =	vst v63  }
0x3e: {  	_ =	swait.ge @!p0 [sflag:s14], $0x80  }
0x3f: {  	[sflag:s14] =	ssyncset.done @!p0 $0x0  }
0x40: {  	[sflag:s14] =	ssyncadd.s32 @!p0 $0xFFFFFF80  }
0x41: {  	_ =	swait.ge @!p0 [sflag:s14], $0x80  }
0x42: {  	[sflag:s14] =	ssyncset.done @!p0 $0x0  }
0x43: {  	[sflag:s14] =	ssyncadd.s32 @!p0 $0xFFFFFF80  }
0x44: {  	_ =	swait.ge @!p0 [sflag:s14], $0x80  }
0x45: {  	[sflag:s14] =	ssyncset.done @!p0 $0x0  }
0x46: {  	[sflag:s14] =	ssyncadd.s32 @!p0 $0xFFFFFF80  }
0x47: {  	_ =	swait.ge @!p0 [sflag:s14], $0x80  }
0x48: {  	[sflag:s14] =	ssyncset.done @!p0 $0x0  }
0x49: {  	[sflag:s14] =	ssyncadd.s32 @!p0 $0xFFFFFF80  }
0x4a: {  	_ =	swait.ge @!p0 [sflag:s14], $0x80  }
0x4b: {  	[sflag:s14] =	ssyncset.done @!p0 $0x0  }
0x4c: {  	[sflag:s14] =	ssyncadd.s32 @!p0 $0xFFFFFF80  }
0x4d: {  	_ =	swait.ge @!p0 [sflag:s14], $0x80  }
0x4e: {  	[sflag:s14] =	ssyncset.done @!p0 $0x0  }
0x4f: {  	[sflag:s14] =	ssyncadd.s32 @!p0 $0xFFFFFF80  }
0x50: {  	_ =	swait.ge @!p0 [sflag:s14], $0x80  }
0x51: {  	[sflag:s14] =	ssyncset.done @!p0 $0x0  }
0x52: {  	[sflag:s14] =	ssyncadd.s32 @!p0 $0xFFFFFF80  }
0x53: {  	_ =	swait.ge @!p0 [sflag:s14], $0x80  }
0x54: {  	[sflag:s14] =	ssyncset.done @!p0 $0x0  }
0x55: {  	[sflag:s14] =	ssyncadd.s32 @!p0 $0xFFFFFF80  }
0x56: {  	_ =	swait.ge @!p0 [sflag:s14], $0x80  }
0x57: {  	[sflag:s14] =	ssyncset.done @!p0 $0x0  }
0x58: {  	[sflag:s14] =	ssyncadd.s32 @!p0 $0xFFFFFF80  }
0x59: {  	_ =	swait.ge @!p0 [sflag:s14], $0x80  }
0x5a: {  	[sflag:s14] =	ssyncset.done @!p0 $0x0  }
0x5b: {  	[sflag:s14] =	ssyncadd.s32 @!p0 $0xFFFFFF80  }
0x5c: {  	_ =	swait.ge @!p0 [sflag:s14], $0x80  }
0x5d: {  	[sflag:s14] =	ssyncset.done @!p0 $0x0  }
0x5e: {  	[sflag:s14] =	ssyncadd.s32 @!p0 $0xFFFFFF80  }
0x5f: {  	_ =	swait.ge @!p0 [sflag:s14], $0x80  }
0x60: {  	[sflag:s14] =	ssyncset.done @!p0 $0x0  }
0x61: {  	[sflag:s14] =	ssyncadd.s32 @!p0 $0xFFFFFF80  }
0x62: {  	_ =	swait.ge @!p0 [sflag:s14], $0x80  }
0x63: {  	[sflag:s14] =	ssyncset.done @!p0 $0x0  }
0x64: {  	s13 =	simm.s32 $0x0;
	[sflag:s14] =	ssyncadd.s32 @!p0 $0xFFFFFF80  }
0x65: {  	s12 =	simm.s32 $0x10;
	s11 =	simm.s32 $0x2000;
	_ =	swait.ge @!p0 [sflag:s14], $0x80  }
.LBB2_2:
0x66: {  	[sflag:s14] =	ssyncset.done @!p0 $0x0  }
0x67: {  	s13 =	sadd.s32 $0x1, s13;
	s15 =	smov.u32 s11;
	s11 =	sadd.s32 $0x2000, s11  }
0x68: {  	p1 =	sne.s32 s11, $0x40000;
	[sflag:s14] =	ssyncadd.s32 @!p0 $0xFFFFFF80  }
0x69: {  	_ =	swait.ge @!p0 [sflag:s14], $0x80  }
0x6a: {  	[sflag:s14] =	ssyncset.done @!p0 $0x0  }
0x6b: {  	[sflag:s14] =	ssyncadd.s32 @!p0 $0xFFFFFF80  }
0x6c: {  	_ =	swait.ge @!p0 [sflag:s14], $0x80  }
0x6d: {  	[sflag:s14] =	ssyncset.done @!p0 $0x0  }
0x6e: {  	[sflag:s14] =	ssyncadd.s32 @!p0 $0xFFFFFF80  }
0x6f: {  	v0 =	vld [tilespmem:s12+$0x0];
	_ =	sdelay $0x4  }
0x70: {  	v0 =	vshll.u32 v0, $0x4  }
0x71: {  	(v2sf) =	vpush v0, $0x0  }
0x72: {  	(v2sf) =	vpush v0, $0x1  }
0x73: {  	(v2sf) =	vpush v0, $0x2;
	_ =	sdelay $0x1  }
0x74: {  	(v2sf) =	vpush v0, $0x3;
	_ =	sdelay $0x1  }
0x75: {  	(v2sf) =	vpush v0, $0x4;
	_ =	sdelay $0x1  }
0x76: {  	(v2sf) =	vpush v0, $0x5  }
0x77: {  	s14 =	sshra.s32 s15, $0x2  }
0x78: {  	s22 =	sadd.s32 $0x280, s14;
	s23 =	sadd.s32 $0x380, s14;
	s24 =	sadd.s32 $0x400, s14;
	(v2sf) =	vpush v0, $0x6  }
0x79: {  	s25 =	sadd.s32 $0x200, s14;
	s26 =	sadd.s32 $0x300, s14  }
0x7a: {  	p0 =	slt.u32 s13, $0x8;
	s28 =	sadd.s32 $0x480, s14;
	(v2sf) =	vpush v0, $0x7  }
0x7b: {  	s19 =	sadd.s32 $0x680, s14;
	s16 =	sadd.s32 $0x880, s14;
	s15 =	sadd.s32 $0x980, s14  }
0x7c: {  	s29 =	sadd.s32 $0x500, s14;
	s21 =	sadd.s32 $0x600, s14;
	s17 =	sadd.s32 $0x800, s14;
	(v2sf) =	vpush v0, $0x8  }
0x7d: {  	s30 =	sadd.s32 $0x580, s14;
	s18 =	sadd.s32 $0x780, s14;
	s20 =	spop (v2sf)  }
0x7e: {  	s31 =	sand.u32 $0x1FFFFFF0, s20;
	s20 =	sadd.s32 $0x700, s14;
	s0 =	spop (v2sf);
	(v2sf) =	vpush v0, $0x9  }
0x7f: {  	s31 =	sadd.s32 s3, s31;
	s0 =	sand.u32 $0x1FFFFFF0, s0;
	s1 =	spop (v2sf)  }
0x80: {  	[tilespmem:s25], [sflag:$0x1] =	stream.linear.gather [hbm4b:s31+s2], $0x80, $0x38;
	(v2sf) =	vpush v0, $0xA;
	[tilespmem:$0x10200] =	vst v63  }
0x81: {  	s0 =	sadd.s32 s3, s0;
	s1 =	sand.u32 $0x1FFFFFF0, s1;
	s25 =	spop (v2sf)  }
0x82: {  	[tilespmem:s22], [sflag:$0x1] =	stream.linear.gather [hbm4b:s0+s2], $0x80, $0x38;
	(v2sf) =	vpush v0, $0xB;
	[tilespmem:$0x10200] =	vst v63  }
0x83: {  	s0 =	sadd.s32 s3, s1;
	s1 =	sand.u32 $0x1FFFFFF0, s25;
	s22 =	spop (v2sf)  }
0x84: {  	[tilespmem:s26], [sflag:$0x1] =	stream.linear.gather [hbm4b:s0+s2], $0x80, $0x38;
	(v2sf) =	vpush v0, $0xC;
	[tilespmem:$0x10200] =	vst v63  }
0x85: {  	s0 =	sadd.s32 s3, s1;
	s1 =	sand.u32 $0x1FFFFFF0, s22;
	s22 =	spop (v2sf)  }
0x86: {  	[tilespmem:s23], [sflag:$0x1] =	stream.linear.gather [hbm4b:s0+s2], $0x80, $0x38;
	(v2sf) =	vpush v0, $0xD;
	[tilespmem:$0x10200] =	vst v63  }
0x87: {  	s0 =	sadd.s32 s3, s1;
	s1 =	sand.u32 $0x1FFFFFF0, s22;
	s22 =	spop (v2sf)  }
0x88: {  	[tilespmem:s24], [sflag:$0x1] =	stream.linear.gather [hbm4b:s0+s2], $0x80, $0x38;
	(v2sf) =	vpush v0, $0xE;
	[tilespmem:$0x10200] =	vst v63  }
0x89: {  	s0 =	sadd.s32 s3, s1;
	s1 =	sand.u32 $0x1FFFFFF0, s22;
	s22 =	spop (v2sf)  }
0x8a: {  	[tilespmem:s28], [sflag:$0x1] =	stream.linear.gather [hbm4b:s0+s2], $0x80, $0x38;
	(v2sf) =	vpush v0, $0xF;
	[tilespmem:$0x10200] =	vst v63  }
0x8b: {  	s0 =	sadd.s32 s3, s1;
	s1 =	sand.u32 $0x1FFFFFF0, s22;
	s22 =	spop (v2sf)  }
0x8c: {  	[tilespmem:s29], [sflag:$0x1] =	stream.linear.gather [hbm4b:s0+s2], $0x80, $0x38;
	[tilespmem:$0x10200] =	vst v63  }
0x8d: {  	s0 =	sadd.s32 s3, s1;
	s1 =	sand.u32 $0x1FFFFFF0, s22;
	s22 =	spop (v2sf)  }
0x8e: {  	[tilespmem:s30], [sflag:$0x1] =	stream.linear.gather [hbm4b:s0+s2], $0x80, $0x38;
	[tilespmem:$0x10200] =	vst v63  }
0x8f: {  	s0 =	sadd.s32 s3, s1;
	s1 =	sand.u32 $0x1FFFFFF0, s22;
	s22 =	spop (v2sf)  }
0x90: {  	[tilespmem:s21], [sflag:$0x1] =	stream.linear.gather [hbm4b:s0+s2], $0x80, $0x38;
	[tilespmem:$0x10200] =	vst v63  }
0x91: {  	s0 =	sadd.s32 s3, s1;
	s1 =	sand.u32 $0x1FFFFFF0, s22;
	s21 =	spop (v2sf)  }
0x92: {  	[tilespmem:s19], [sflag:$0x1] =	stream.linear.gather [hbm4b:s0+s2], $0x80, $0x38;
	[tilespmem:$0x10200] =	vst v63  }
0x93: {  	s0 =	sadd.s32 s3, s1;
	s1 =	sand.u32 $0x1FFFFFF0, s21;
	s19 =	spop (v2sf)  }
0x94: {  	[tilespmem:s20], [sflag:$0x1] =	stream.linear.gather [hbm4b:s0+s2], $0x80, $0x38;
	[tilespmem:$0x10200] =	vst v63  }
0x95: {  	s0 =	sadd.s32 s3, s1;
	s1 =	sand.u32 $0x1FFFFFF0, s19;
	s19 =	spop (v2sf)  }
0x96: {  	[tilespmem:s18], [sflag:$0x1] =	stream.linear.gather [hbm4b:s0+s2], $0x80, $0x38;
	[tilespmem:$0x10200] =	vst v63  }
0x97: {  	s0 =	sadd.s32 s3, s1;
	s1 =	sand.u32 $0x1FFFFFF0, s19;
	s18 =	spop (v2sf)  }
0x98: {  	[tilespmem:s17], [sflag:$0x1] =	stream.linear.gather [hbm4b:s0+s2], $0x80, $0x38;
	[tilespmem:$0x10200] =	vst v63  }
0x99: {  	s0 =	sadd.s32 s3, s1;
	s1 =	sand.u32 $0x1FFFFFF0, s18;
	s17 =	spop (v2sf)  }
0x9a: {  	[tilespmem:s16], [sflag:$0x1] =	stream.linear.gather [hbm4b:s0+s2], $0x80, $0x38;
	[tilespmem:$0x10200] =	vst v63  }
0x9b: {  	s1 =	sadd.s32 s3, s1;
	s0 =	sadd.s32 $0x900, s14;
	s14 =	sand.u32 $0x1FFFFFF0, s17  }
0x9c: {  	[tilespmem:s0], [sflag:$0x1] =	stream.linear.gather [hbm4b:s1+s2], $0x80, $0x38;
	[tilespmem:$0x10200] =	vst v63  }
0x9d: {  	s0 =	sadd.s32 s3, s14;
	s14 =	simm.s32 @!p0 $0x1  }
0x9e: {  	[tilespmem:s15], [sflag:$0x1] =	stream.linear.gather [hbm4b:s0+s2], $0x80, $0x38;
	[tilespmem:$0x10200] =	vst v63  }
0x9f: {  	_ =	swait.ge @!p0 [sflag:s14], $0x80  }
0xa0: {  	[sflag:s14] =	ssyncset.done @!p0 $0x0  }
0xa1: {  	[sflag:s14] =	ssyncadd.s32 @!p0 $0xFFFFFF80  }
0xa2: {  	_ =	swait.ge @!p0 [sflag:s14], $0x80  }
0xa3: {  	[sflag:s14] =	ssyncset.done @!p0 $0x0  }
0xa4: {  	[sflag:s14] =	ssyncadd.s32 @!p0 $0xFFFFFF80  }
0xa5: {  	_ =	swait.ge @!p0 [sflag:s14], $0x80  }
0xa6: {  	[sflag:s14] =	ssyncset.done @!p0 $0x0  }
0xa7: {  	[sflag:s14] =	ssyncadd.s32 @!p0 $0xFFFFFF80  }
0xa8: {  	_ =	swait.ge @!p0 [sflag:s14], $0x80  }
0xa9: {  	[sflag:s14] =	ssyncset.done @!p0 $0x0  }
0xaa: {  	[sflag:s14] =	ssyncadd.s32 @!p0 $0xFFFFFF80  }
0xab: {  	_ =	swait.ge @!p0 [sflag:s14], $0x80  }
0xac: {  	[sflag:s14] =	ssyncset.done @!p0 $0x0  }
0xad: {  	[sflag:s14] =	ssyncadd.s32 @!p0 $0xFFFFFF80  }
0xae: {  	_ =	swait.ge @!p0 [sflag:s14], $0x80  }
0xaf: {  	[sflag:s14] =	ssyncset.done @!p0 $0x0  }
0xb0: {  	[sflag:s14] =	ssyncadd.s32 @!p0 $0xFFFFFF80  }
0xb1: {  	_ =	swait.ge @!p0 [sflag:s14], $0x80  }
0xb2: {  	[sflag:s14] =	ssyncset.done @!p0 $0x0  }
0xb3: {  	[sflag:s14] =	ssyncadd.s32 @!p0 $0xFFFFFF80  }
0xb4: {  	_ =	swait.ge @!p0 [sflag:s14], $0x80  }
0xb5: {  	[sflag:s14] =	ssyncset.done @!p0 $0x0  }
0xb6: {  	[sflag:s14] =	ssyncadd.s32 @!p0 $0xFFFFFF80  }
0xb7: {  	_ =	swait.ge @!p0 [sflag:s14], $0x80  }
0xb8: {  	[sflag:s14] =	ssyncset.done @!p0 $0x0  }
0xb9: {  	[sflag:s14] =	ssyncadd.s32 @!p0 $0xFFFFFF80  }
0xba: {  	_ =	swait.ge @!p0 [sflag:s14], $0x80  }
0xbb: {  	[sflag:s14] =	ssyncset.done @!p0 $0x0  }
0xbc: {  	[sflag:s14] =	ssyncadd.s32 @!p0 $0xFFFFFF80  }
0xbd: {  	_ =	swait.ge @!p0 [sflag:s14], $0x80  }
0xbe: {  	[sflag:s14] =	ssyncset.done @!p0 $0x0  }
0xbf: {  	[sflag:s14] =	ssyncadd.s32 @!p0 $0xFFFFFF80  }
0xc0: {  	_ =	swait.ge @!p0 [sflag:s14], $0x80  }
0xc1: {  	[sflag:s14] =	ssyncset.done @!p0 $0x0  }
.Ltmp0:
0xc2: {  	[sflag:s14] =	ssyncadd.s32 @!p0 $0xFFFFFF80;
	(pc) =	sbr.rel @p1 .LBB2_2-.Ltmp0, $4  }
0xc3: {  	_ =	swait.ge @!p0 [sflag:s14], $0x80  }
0xc4: {  	[sflag:s14] =	ssyncset.done @!p0 $0x0  }
0xc5: {  	[sflag:s14] =	ssyncadd.s32 @!p0 $0xFFFFFF80  }
0xc6: {  	s12 =	sadd.s32 $0x10, s12;
	_ =	swait.ge @!p0 [sflag:s14], $0x80  }
0xc7: {  	[sflag:s14] =	ssyncset.done @!p0 $0x0  }
0xc8: {  	[sflag:s14] =	ssyncadd.s32 @!p0 $0xFFFFFF80  }
0xc9: {  	_ =	swait.ge @!p0 [sflag:s14], $0x80  }
0xca: {  	[sflag:s14] =	ssyncset.done @!p0 $0x0  }
0xcb: {  	[sflag:s14] =	ssyncadd.s32 @!p0 $0xFFFFFF80  }
0xcc: {  	_ =	swait.ge @!p0 [sflag:s14], $0x80  }
0xcd: {  	[sflag:s14] =	ssyncset.done @!p0 $0x0  }
0xce: {  	[sflag:s14] =	ssyncadd.s32 @!p0 $0xFFFFFF80  }
0xcf: {  	_ =	swait.ge [sflag:s8], $0x80  }
0xd0: {  	[sflag:s8] =	ssyncset.done $0x0  }
0xd1: {  	[sflag:s8] =	ssyncadd.s32 $0xFFFFFF80  }
0xd2: {  	_ =	swait.ge [sflag:s8], $0x80  }
0xd3: {  	[sflag:s8] =	ssyncset.done $0x0  }
0xd4: {  	[sflag:s8] =	ssyncadd.s32 $0xFFFFFF80  }
0xd5: {  	_ =	swait.ge [sflag:s8], $0x80  }
0xd6: {  	[sflag:s8] =	ssyncset.done $0x0  }
0xd7: {  	[sflag:s8] =	ssyncadd.s32 $0xFFFFFF80  }
0xd8: {  	_ =	swait.ge [sflag:s8], $0x80  }
0xd9: {  	[sflag:s8] =	ssyncset.done $0x0  }
0xda: {  	[sflag:s8] =	ssyncadd.s32 $0xFFFFFF80  }
0xdb: {  	_ =	swait.ge [sflag:s8], $0x80  }
0xdc: {  	[sflag:s8] =	ssyncset.done $0x0  }
0xdd: {  	[sflag:s8] =	ssyncadd.s32 $0xFFFFFF80  }
0xde: {  	_ =	swait.ge [sflag:s8], $0x80  }
0xdf: {  	[sflag:s8] =	ssyncset.done $0x0  }
0xe0: {  	[sflag:s8] =	ssyncadd.s32 $0xFFFFFF80  }
0xe1: {  	_ =	swait.ge [sflag:s8], $0x80  }
0xe2: {  	[sflag:s8] =	ssyncset.done $0x0  }
0xe3: {  	[sflag:s8] =	ssyncadd.s32 $0xFFFFFF80  }
0xe4: {  	_ =	swait.ge [sflag:s8], $0x80  }
0xe5: {  	[sflag:s8] =	ssyncset.done $0x0  }
0xe6: {  	[sflag:s8] =	ssyncadd.s32 $0xFFFFFF80  }
0xe7: {  	_ =	swait.ge [sflag:s8], $0x80  }
0xe8: {  	[sflag:s8] =	ssyncset.done $0x0  }
0xe9: {  	[sflag:s8] =	ssyncadd.s32 $0xFFFFFF80  }
0xea: {  	_ =	swait.ge [sflag:s8], $0x80  }
0xeb: {  	[sflag:s8] =	ssyncset.done $0x0  }
0xec: {  	[sflag:s8] =	ssyncadd.s32 $0xFFFFFF80  }
0xed: {  	_ =	swait.ge [sflag:s8], $0x80  }
0xee: {  	[sflag:s8] =	ssyncset.done $0x0  }
0xef: {  	[sflag:s8] =	ssyncadd.s32 $0xFFFFFF80  }
0xf0: {  	_ =	swait.ge [sflag:s8], $0x80  }
0xf1: {  	[sflag:s8] =	ssyncset.done $0x0  }
0xf2: {  	[sflag:s8] =	ssyncadd.s32 $0xFFFFFF80  }
0xf3: {  	_ =	swait.ge [sflag:s8], $0x80  }
0xf4: {  	[sflag:s8] =	ssyncset.done $0x0  }
0xf5: {  	[sflag:s8] =	ssyncadd.s32 $0xFFFFFF80  }
0xf6: {  	_ =	swait.ge [sflag:s8], $0x80  }
0xf7: {  	[sflag:s8] =	ssyncset.done $0x0  }
0xf8: {  	[sflag:s8] =	ssyncadd.s32 $0xFFFFFF80  }
0xf9: {  	_ =	swait.ge [sflag:s8], $0x80  }
0xfa: {  	[sflag:s8] =	ssyncset.done $0x0  }
0xfb: {  	[sflag:s8] =	ssyncadd.s32 $0xFFFFFF80  }
0xfc: {  	_ =	swait.ge [sflag:s8], $0x80  }
0xfd: {  	s11 =	simm.s32 $0x7;
	[sflag:s8] =	ssyncset.done $0x0  }
.LBB2_4:
0xfe: {  	p0 =	sne.s32 s11, $0x1;
	s11 =	sadd.s32 $0xFFFFFFFF, s11;
	[sflag:s8] =	ssyncadd.s32 $0xFFFFFF80  }
0xff: {  	_ =	swait.ge [sflag:s8], $0x80  }
0x100: {  	[sflag:s8] =	ssyncset.done $0x0  }
0x101: {  	[sflag:s8] =	ssyncadd.s32 $0xFFFFFF80  }
0x102: {  	_ =	swait.ge [sflag:s8], $0x80  }
0x103: {  	[sflag:s8] =	ssyncset.done $0x0  }
0x104: {  	[sflag:s8] =	ssyncadd.s32 $0xFFFFFF80  }
0x105: {  	_ =	swait.ge [sflag:s8], $0x80  }
0x106: {  	[sflag:s8] =	ssyncset.done $0x0  }
0x107: {  	[sflag:s8] =	ssyncadd.s32 $0xFFFFFF80  }
0x108: {  	_ =	swait.ge [sflag:s8], $0x80  }
0x109: {  	[sflag:s8] =	ssyncset.done $0x0  }
0x10a: {  	[sflag:s8] =	ssyncadd.s32 $0xFFFFFF80  }
0x10b: {  	_ =	swait.ge [sflag:s8], $0x80  }
0x10c: {  	[sflag:s8] =	ssyncset.done $0x0  }
0x10d: {  	[sflag:s8] =	ssyncadd.s32 $0xFFFFFF80  }
0x10e: {  	_ =	swait.ge [sflag:s8], $0x80  }
0x10f: {  	[sflag:s8] =	ssyncset.done $0x0  }
0x110: {  	[sflag:s8] =	ssyncadd.s32 $0xFFFFFF80  }
0x111: {  	_ =	swait.ge [sflag:s8], $0x80  }
0x112: {  	[sflag:s8] =	ssyncset.done $0x0  }
0x113: {  	[sflag:s8] =	ssyncadd.s32 $0xFFFFFF80  }
0x114: {  	_ =	swait.ge [sflag:s8], $0x80  }
0x115: {  	[sflag:s8] =	ssyncset.done $0x0  }
0x116: {  	[sflag:s8] =	ssyncadd.s32 $0xFFFFFF80  }
0x117: {  	_ =	swait.ge [sflag:s8], $0x80  }
0x118: {  	[sflag:s8] =	ssyncset.done $0x0  }
0x119: {  	[sflag:s8] =	ssyncadd.s32 $0xFFFFFF80  }
0x11a: {  	_ =	swait.ge [sflag:s8], $0x80  }
0x11b: {  	[sflag:s8] =	ssyncset.done $0x0  }
0x11c: {  	[sflag:s8] =	ssyncadd.s32 $0xFFFFFF80  }
0x11d: {  	_ =	swait.ge [sflag:s8], $0x80  }
0x11e: {  	[sflag:s8] =	ssyncset.done $0x0  }
0x11f: {  	[sflag:s8] =	ssyncadd.s32 $0xFFFFFF80  }
0x120: {  	_ =	swait.ge [sflag:s8], $0x80  }
0x121: {  	[sflag:s8] =	ssyncset.done $0x0  }
0x122: {  	[sflag:s8] =	ssyncadd.s32 $0xFFFFFF80  }
0x123: {  	_ =	swait.ge [sflag:s8], $0x80  }
0x124: {  	[sflag:s8] =	ssyncset.done $0x0  }
0x125: {  	[sflag:s8] =	ssyncadd.s32 $0xFFFFFF80  }
0x126: {  	_ =	swait.ge [sflag:s8], $0x80  }
0x127: {  	[sflag:s8] =	ssyncset.done $0x0  }
0x128: {  	[sflag:s8] =	ssyncadd.s32 $0xFFFFFF80  }
.Ltmp1:
0x129: {  	_ =	swait.ge [sflag:s8], $0x80;
	(pc) =	sbr.rel @p0 .LBB2_4-.Ltmp1, $4  }
0x12a: {  	[sflag:s8] =	ssyncset.done $0x0  }
0x12b: {  	[sflag:s8] =	ssyncadd.s32 $0xFFFFFF80  }
0x12c: {  	_ =	swait.ge [sflag:s8], $0x80  }
0x12d: {  	[sflag:s8] =	ssyncset.done $0x0  }
0x12e: {  	s10 =	sadd.s32 $0x1, s10  }
0x12f: {  	p0 =	sne.s32 s10, s6  }
.Ltmp2:
0x130: {  	[sflag:s8] =	ssyncadd.s32 $0xFFFFFF80;
	(pc) =	sbr.rel @p0 .LBB2_1-.Ltmp2, $4  }
0x131: {  	[hbm4b:s5+s2] =	stream.linear.scatter [tilespmem:s9], [sflag:$0x2], $0x10000, $0x38;
	[tilespmem:$0x10200] =	vst v63  }
0x132: {  	_ =	swait.ge [sflag:s7], $0x10000  }
0x133: {  	[sflag:s7] =	ssyncset.done $0x0  }
0x134: {  	[sflag:s7] =	ssyncadd.s32 $0xFFFF0000  }
0x135: {  	_ =	sfence.sel $0x180000  }
0x136: {  	[bflag:$0x0] =	sbarrier.arrive $0xFFFF  }
0x137: {  	_ =	strace $0x90000047  }
0x138: {  	s0 =	stileid.u32;
	[bflag:$0x2] =	sbarrier.arrive $0xFFFF  }
0x139: {  	p0 =	sne.s32 s0, $0x0;
	s0 =	rddreg [dreg:$0x3]  }
0x13a: {  	s0 =	sadd.s32 @!p0 $0x100000, s0  }
0x13b: {  	[sflag:s0] =	ssyncadd.tile.s32 @!p0 $0x1;
	_ =	shalt  }
.Lfunc_end2:
_tile_overlayer_lowered:
.L_overlay_start_2:
0x13c: {  	(tag) =	ssettag $0x2  }
0x13d: {  	s0 =	rddreg [dreg:$0x0];
	s2 =	stileid.u32  }
0x13e: {  	s1 =	rddreg [dreg:$0x1];
	p0 =	sne.s32 s2, $0x0  }
0x13f: {  	s3 =	rddreg [dreg:$0x2];
	[bflag:$0x3] =	sbarrier.arrive $0xFFFF;
	s2 =	simm.s32 @!p0 $0x1C02  }
0x140: {  	[timem:s3], [sflag:s2] =	dma.local @!p0 [hbm:s0], s1  }
0x141: {  	s0 =	simm.s32 @!p0 $0x2  }
0x142: {  	_ =	swait.ge @!p0 [sflag:s0], s1  }
0x143: {  	s1 =	ssub.s32 @!p0 $0x0, s1;
	[sflag:s0] =	ssyncset.done @!p0 $0x0  }
0x144: {  	[sflag:s0] =	ssyncadd.s32 @!p0 s1  }
0x145: {  	[bflag:$0x3] =	sbarrier.arrive $0xFFFF  }
0x146: {  	_ =	shalt  }

</sc_bundles>
